<compile_context>
chip_gen: v7x
topology: tpu7x:2x2x1
jax: 0.10.2.dev20260603
libtpu: 0.0.44.dev20260713+nightly
codegen_flags: <defaults>
</compile_context>

<pallas_src>
import functools

import jax
import jax.numpy as jnp
from jax import lax
from jax.experimental import pallas as pl
from jax.experimental.pallas import tpu as pltpu
from jax.experimental.pallas import tpu_sc as plsc

N = 10000
D = 128
C = 16
E = 320000

NC = 2
NS = 16
CH = 128
E_PAD = 327680
CHUNKS = E_PAD // (NS * CH)
NBUF = 4
ROWS_PER_TILE = N // NS
DE1 = 144
W1C = DE1 // NC
BN = 2000
GRID = N // BN


def _make_sc_agg(W):
    mesh = plsc.VectorSubcoreMesh(
        core_axis_name="c", subcore_axis_name="s",
        num_cores=NC, num_subcores=NS)

    @functools.partial(
        pl.kernel,
        out_type=jax.ShapeDtypeStruct((NC, N, W), jnp.float32),
        mesh=mesh,
        scratch_types=[
            pltpu.VMEM((CHUNKS, CH), jnp.int32),
            pltpu.VMEM((CHUNKS, CH), jnp.int32),
            pltpu.VMEM((NBUF, CH, W), jnp.float32),
            pltpu.VMEM_SHARED((N, W), jnp.float32),
            [pltpu.SemaphoreType.DMA] * NBUF,
        ],
        compiler_params=pltpu.CompilerParams(use_tc_tiling_on_sc=False),
    )
    def sc_agg(feats, srcs, dsts, zinit, out, src_v, dst_v, ring, acc, gsem):
        c = lax.axis_index("c")
        s = lax.axis_index("s")
        bufs = tuple(ring.at[b] for b in range(NBUF))
        feat = feats.at[c]

        base = s * ROWS_PER_TILE
        pltpu.sync_copy(zinit, acc.at[pl.ds(base, ROWS_PER_TILE)])
        plsc.subcore_barrier()

        pltpu.sync_copy(srcs.at[s], src_v)
        pltpu.sync_copy(dsts.at[s], dst_v)

        for b in range(NBUF):
            pltpu.async_copy(feat.at[src_v.at[b]], bufs[b], gsem[b])

        def body(i, carry):
            j0 = i * NBUF
            for b in range(NBUF):
                pltpu.make_async_copy(feat.at[src_v.at[j0 + b]],
                                      bufs[b], gsem[b]).wait()
                pltpu.sync_copy(bufs[b], acc.at[dst_v.at[j0 + b]], add=True)
                pltpu.async_copy(feat.at[src_v.at[j0 + NBUF + b]],
                                 bufs[b], gsem[b])
            return carry
        lax.fori_loop(0, CHUNKS // NBUF - 1, body, 0)
        j0 = CHUNKS - NBUF
        for b in range(NBUF):
            pltpu.make_async_copy(feat.at[src_v.at[j0 + b]],
                                  bufs[b], gsem[b]).wait()
            pltpu.sync_copy(bufs[b], acc.at[dst_v.at[j0 + b]], add=True)

        plsc.subcore_barrier()
        pltpu.sync_copy(acc.at[pl.ds(base, ROWS_PER_TILE)],
                        out.at[c, pl.ds(base, ROWS_PER_TILE)])

    return sc_agg


_sc_agg = _make_sc_agg(W1C)


def _tc_layer1(x_ref, p0, p1, ws, wn, b, o, oinv):
    pa = p0[...]
    pb = p1[...]
    deg = jnp.sum(pb[:, D - W1C:], axis=1, keepdims=True)
    inv = 1.0 / jnp.maximum(deg, 1.0)
    agg = jnp.concatenate([pa, pb[:, :D - W1C]], axis=1) * inv
    h = x_ref[...] @ ws[...] + agg @ wn[...] + b[...]
    o[...] = jnp.maximum(h, 0.0)
    oinv[...] = jnp.broadcast_to(inv, (BN, 8))


def _tc_layer2(h_ref, q0, q1, dinv, w2s, w2n, b2, wc1, bc1, wc2, bc2, o):
    inv = dinv[...][:, 0:1]
    agg = jnp.concatenate([q0[...], q1[...][:, :D - W1C]], axis=1) * inv
    h2 = jnp.maximum(h_ref[...] @ w2s[...] + agg @ w2n[...] + b2[...], 0.0)
    h3 = jnp.maximum(h2 @ wc1[...] + bc1[...], 0.0)
    o[...] = h3 @ wc2[...] + bc2[...]


def _row_spec(w):
    return pl.BlockSpec((BN, w), lambda i: (i, 0))


def _full_spec(h, w):
    return pl.BlockSpec((h, w), lambda i: (0, 0))


_tck1 = pl.pallas_call(
    _tc_layer1,
    grid=(GRID,),
    in_specs=[_row_spec(D), _row_spec(W1C), _row_spec(W1C),
              _full_spec(D, D), _full_spec(D, D), _full_spec(1, D)],
    out_specs=[_row_spec(D), pl.BlockSpec((BN, 8), lambda i: (i, 0))],
    out_shape=[jax.ShapeDtypeStruct((N, D), jnp.float32),
               jax.ShapeDtypeStruct((N, 8), jnp.float32)],
)

_tck2 = pl.pallas_call(
    _tc_layer2,
    grid=(GRID,),
    in_specs=[_row_spec(D), _row_spec(W1C), _row_spec(W1C),
              pl.BlockSpec((BN, 8), lambda i: (i, 0)),
              _full_spec(D, D), _full_spec(D, D), _full_spec(1, D),
              _full_spec(D, D), _full_spec(1, D),
              _full_spec(D, C), _full_spec(1, C)],
    out_specs=pl.BlockSpec((BN, C), lambda i: (i, 0)),
    out_shape=jax.ShapeDtypeStruct((N, C), jnp.float32),
)


def kernel(x, W1_self, W1_neigh, b1, W2_self, W2_neigh, b2,
           Wc1, bc1, Wc2, bc2, edge_index):
    zrow = jnp.zeros((1, W1C), jnp.float32)
    fa = jnp.concatenate([x[:, :W1C], zrow], axis=0)
    fb = jnp.concatenate([
        jnp.concatenate([x[:, W1C:], jnp.ones((N, 1), jnp.float32),
                         jnp.zeros((N, DE1 - D - 1), jnp.float32)], axis=1),
        zrow], axis=0)
    feats1 = jnp.stack([fa, fb])

    pad = E_PAD - E
    src = jnp.concatenate([edge_index[0], jnp.full((pad,), N, jnp.int32)])
    dst = jnp.concatenate([edge_index[1], jnp.zeros((pad,), jnp.int32)])
    src = src.reshape(NS, CHUNKS, CH)
    dst = dst.reshape(NS, CHUNKS, CH)
    zinit = jnp.zeros((ROWS_PER_TILE, W1C), jnp.float32)

    p1 = _sc_agg(feats1, src, dst, zinit)
    h1, inv_deg = _tck1(x, p1[0], p1[1], W1_self, W1_neigh, b1.reshape(1, D))

    feats2 = jnp.stack([
        jnp.concatenate([h1[:, :W1C], zrow], axis=0),
        jnp.concatenate([
            jnp.concatenate([h1[:, W1C:],
                             jnp.zeros((N, DE1 - D), jnp.float32)], axis=1),
            zrow], axis=0)])
    p2 = _sc_agg(feats2, src, dst, zinit)

    out = _tck2(h1, p2[0], p2[1], inv_deg,
                W2_self, W2_neigh, b2.reshape(1, D),
                Wc1, bc1.reshape(1, D), Wc2, bc2.reshape(1, C))
    return out

# --- scband reference (transcript-rebuilt; emitter-appended) ---
"""Pipeline reference for scband-word-sage-4518305595690 (READ-ONLY COPY).

The authoritative reference and input builder live on the scoring server;
editing this copy changes nothing except your own understanding.
"""

import jax, jax.numpy as jnp
import numpy as np

N_NODES = 10000
D = 128
NUM_CLASSES = 16
N_EDGES = 320000


def sage_conv(x, src, dst, W_self, W_neigh, b):
    # DGL-style SAGEConv with mean aggregator:
    # out = x @ W_self + mean_{j in N(i)} x_j @ W_neigh + b
    msgs = jnp.take(x, src, axis=0)
    agg = jax.ops.segment_sum(msgs, dst, num_segments=N_NODES)
    deg = jax.ops.segment_sum(jnp.ones_like(dst, dtype=x.dtype), dst, num_segments=N_NODES)
    agg = agg / jnp.clip(deg, 1.0, None)[:, None]
    return x @ W_self + agg @ W_neigh + b


def setup_inputs(seed: int = 0):
    key = jax.random.key(seed)
    ks = jax.random.split(key, 12)
    s = 1.0 / np.sqrt(D)
    x = jax.random.normal(ks[0], (N_NODES, D), dtype=jnp.float32)
    edge_index = jax.random.randint(ks[1], (2, N_EDGES), 0, N_NODES, dtype=jnp.int32)
    W1_self = jax.random.normal(ks[2], (D, D), dtype=jnp.float32) * s
    W1_neigh = jax.random.normal(ks[3], (D, D), dtype=jnp.float32) * s
    b1 = jnp.zeros((D,), dtype=jnp.float32)
    W2_self = jax.random.normal(ks[4], (D, D), dtype=jnp.float32) * s
    W2_neigh = jax.random.normal(ks[5], (D, D), dtype=jnp.float32) * s
    b2 = jnp.zeros((D,), dtype=jnp.float32)
    Wc1 = jax.random.normal(ks[6], (D, D), dtype=jnp.float32) * s
    bc1 = jnp.zeros((D,), dtype=jnp.float32)
    Wc2 = jax.random.normal(ks[7], (D, NUM_CLASSES), dtype=jnp.float32) * s
    bc2 = jnp.zeros((NUM_CLASSES,), dtype=jnp.float32)
    return {
        "x": x,
        "W1_self": W1_self, "W1_neigh": W1_neigh, "b1": b1,
        "W2_self": W2_self, "W2_neigh": W2_neigh, "b2": b2,
        "Wc1": Wc1, "bc1": bc1, "Wc2": Wc2, "bc2": bc2,
        "edge_index": edge_index,
    }


def reference(x, W1_self, W1_neigh, b1, W2_self, W2_neigh, b2, Wc1, bc1, Wc2, bc2, edge_index):
    src = edge_index[0]
    dst = edge_index[1]
    h = jax.nn.relu(sage_conv(x, src, dst, W1_self, W1_neigh, b1))
    h = jax.nn.relu(sage_conv(h, src, dst, W2_self, W2_neigh, b2))
    h = jax.nn.relu(h @ Wc1 + bc1)
    out = h @ Wc2 + bc2
    return out

if __name__ == "__main__":
    import jax
    _d = setup_inputs()
    print(jax.jit(kernel)(*tuple(_d.values())))

</pallas_src>

<mosaic_0001>
#map = affine_map<(d0, d1) -> (0, 0, 0)>
#map1 = affine_map<(d0, d1) -> (0, 0)>
module attributes {stable_mosaic.version = 14 : i64} {
  func.func @sc_agg(%arg0: i32, %arg1: i32, %arg2: memref<2x10001x72xf32, #tpu.memory_space<hbm>>, %arg3: memref<16x160x128xi32, #tpu.memory_space<hbm>>, %arg4: memref<16x160x128xi32, #tpu.memory_space<hbm>>, %arg5: memref<625x72xf32, #tpu.memory_space<hbm>>, %arg6: memref<2x10000x72xf32, #tpu.memory_space<hbm>>, %arg7: memref<160x128xi32, #tpu.memory_space<vmem>>, %arg8: memref<160x128xi32, #tpu.memory_space<vmem>>, %arg9: memref<4x128x72xf32, #tpu.memory_space<vmem>>, %arg10: memref<10000x72xf32, #tpu.memory_space<vmem_shared>>, %arg11: memref<!tpu.dma_semaphore, #tpu.memory_space<semaphore_mem>>, %arg12: memref<!tpu.dma_semaphore, #tpu.memory_space<semaphore_mem>>, %arg13: memref<!tpu.dma_semaphore, #tpu.memory_space<semaphore_mem>>, %arg14: memref<!tpu.dma_semaphore, #tpu.memory_space<semaphore_mem>>) attributes {dimension_semantics = [#tpu.dimension_semantics<core_parallel>, #tpu.dimension_semantics<subcore_parallel>], iteration_bounds = array<i64: 2, 16>, scalar_prefetch = 0 : i64, scratch_operands = 8 : i64, tpu.core_type = #tpu.core_type<sc_vector_subcore>, window_params = [{transform_indices = #map}, {transform_indices = #map}, {transform_indices = #map}, {transform_indices = #map1}, {transform_indices = #map}]} {
    %mul3A = arith.constant 625 : i32
    %mul3A_0 = arith.muli %arg1, %mul3A : i32
    "tpu.region"() ({
      %run_scoped3A_144 = tpu.sem_alloc : memref<!tpu.dma_semaphore, #tpu.memory_space<semaphore_mem>>
      %dma_start3A_145 = arith.constant 0 : i32
      %dma_start3A_146 = tpu.memref_slice %arg10[%mul3A_0, %dma_start3A_145] : memref<10000x72xf32, #tpu.memory_space<vmem_shared>> -> memref<625x72xf32, #tpu.memory_space<vmem_shared>>
      tpu.enqueue_dma source(%arg5 : memref<625x72xf32, #tpu.memory_space<hbm>>) target(%dma_start3A_146 : memref<625x72xf32, #tpu.memory_space<vmem_shared>>) target_semaphore(%run_scoped3A_144 : memref<!tpu.dma_semaphore, #tpu.memory_space<semaphore_mem>>)
      %dma_wait3A_147 = arith.constant 0 : i32
      %dma_wait3A_148 = tpu.memref_slice %arg10[%mul3A_0, %dma_wait3A_147] : memref<10000x72xf32, #tpu.memory_space<vmem_shared>> -> memref<625x72xf32, #tpu.memory_space<vmem_shared>>
      tpu.wait_dma2 semaphore(%run_scoped3A_144 : memref<!tpu.dma_semaphore, #tpu.memory_space<semaphore_mem>>) src(%arg5 : memref<625x72xf32, #tpu.memory_space<hbm>>) dst(%dma_wait3A_148 : memref<625x72xf32, #tpu.memory_space<vmem_shared>>)
      tpu.yield
    }) : () -> ()
    %barrier3A = arith.constant 0 : index
    tpu.barrier barrier_id(%barrier3A)
    "tpu.region"() ({
      %run_scoped3A_144 = tpu.sem_alloc : memref<!tpu.dma_semaphore, #tpu.memory_space<semaphore_mem>>
      %dma_start3A_145 = arith.constant 0 : i32
      %dma_start3A_146 = arith.constant 0 : i32
      %dma_start3A_147 = tpu.memref_slice %arg3[%arg1, %dma_start3A_145, %dma_start3A_146] : memref<16x160x128xi32, #tpu.memory_space<hbm>> -> memref<1x160x128xi32, #tpu.memory_space<hbm>>
      %dma_start3A_148 = tpu.memref_squeeze %dma_start3A_147 : memref<1x160x128xi32, #tpu.memory_space<hbm>> -> memref<160x128xi32, #tpu.memory_space<hbm>>
      %dma_start3A_149 = arith.constant 0 : i32
      %dma_start3A_150 = arith.constant 0 : i32
      %dma_start3A_151 = tpu.memref_slice %arg3[%arg1, %dma_start3A_149, %dma_start3A_150] : memref<16x160x128xi32, #tpu.memory_space<hbm>> -> memref<1x160x128xi32, #tpu.memory_space<hbm>>
      %dma_start3A_152 = tpu.memref_squeeze %dma_start3A_151 : memref<1x160x128xi32, #tpu.memory_space<hbm>> -> memref<160x128xi32, #tpu.memory_space<hbm>>
      tpu.enqueue_dma source(%dma_start3A_152 : memref<160x128xi32, #tpu.memory_space<hbm>>) target(%arg7 : memref<160x128xi32, #tpu.memory_space<vmem>>) target_semaphore(%run_scoped3A_144 : memref<!tpu.dma_semaphore, #tpu.memory_space<semaphore_mem>>)
      %dma_wait3A_153 = arith.constant 0 : i32
      %dma_wait3A_154 = arith.constant 0 : i32
      %dma_wait3A_155 = tpu.memref_slice %arg3[%arg1, %dma_wait3A_153, %dma_wait3A_154] : memref<16x160x128xi32, #tpu.memory_space<hbm>> -> memref<1x160x128xi32, #tpu.memory_space<hbm>>
      %dma_wait3A_156 = tpu.memref_squeeze %dma_wait3A_155 : memref<1x160x128xi32, #tpu.memory_space<hbm>> -> memref<160x128xi32, #tpu.memory_space<hbm>>
      %dma_wait3A_157 = arith.constant 0 : i32
      %dma_wait3A_158 = arith.constant 0 : i32
      %dma_wait3A_159 = tpu.memref_slice %arg3[%arg1, %dma_wait3A_157, %dma_wait3A_158] : memref<16x160x128xi32, #tpu.memory_space<hbm>> -> memref<1x160x128xi32, #tpu.memory_space<hbm>>
      %dma_wait3A_160 = tpu.memref_squeeze %dma_wait3A_159 : memref<1x160x128xi32, #tpu.memory_space<hbm>> -> memref<160x128xi32, #tpu.memory_space<hbm>>
      tpu.wait_dma2 semaphore(%run_scoped3A_144 : memref<!tpu.dma_semaphore, #tpu.memory_space<semaphore_mem>>) src(%dma_wait3A_160 : memref<160x128xi32, #tpu.memory_space<hbm>>) dst(%arg7 : memref<160x128xi32, #tpu.memory_space<vmem>>)
      tpu.yield
    }) : () -> ()
    "tpu.region"() ({
      %run_scoped3A_144 = tpu.sem_alloc : memref<!tpu.dma_semaphore, #tpu.memory_space<semaphore_mem>>
      %dma_start3A_145 = arith.constant 0 : i32
      %dma_start3A_146 = arith.constant 0 : i32
      %dma_start3A_147 = tpu.memref_slice %arg4[%arg1, %dma_start3A_145, %dma_start3A_146] : memref<16x160x128xi32, #tpu.memory_space<hbm>> -> memref<1x160x128xi32, #tpu.memory_space<hbm>>
      %dma_start3A_148 = tpu.memref_squeeze %dma_start3A_147 : memref<1x160x128xi32, #tpu.memory_space<hbm>> -> memref<160x128xi32, #tpu.memory_space<hbm>>
      %dma_start3A_149 = arith.constant 0 : i32
      %dma_start3A_150 = arith.constant 0 : i32
      %dma_start3A_151 = tpu.memref_slice %arg4[%arg1, %dma_start3A_149, %dma_start3A_150] : memref<16x160x128xi32, #tpu.memory_space<hbm>> -> memref<1x160x128xi32, #tpu.memory_space<hbm>>
      %dma_start3A_152 = tpu.memref_squeeze %dma_start3A_151 : memref<1x160x128xi32, #tpu.memory_space<hbm>> -> memref<160x128xi32, #tpu.memory_space<hbm>>
      tpu.enqueue_dma source(%dma_start3A_152 : memref<160x128xi32, #tpu.memory_space<hbm>>) target(%arg8 : memref<160x128xi32, #tpu.memory_space<vmem>>) target_semaphore(%run_scoped3A_144 : memref<!tpu.dma_semaphore, #tpu.memory_space<semaphore_mem>>)
      %dma_wait3A_153 = arith.constant 0 : i32
      %dma_wait3A_154 = arith.constant 0 : i32
      %dma_wait3A_155 = tpu.memref_slice %arg4[%arg1, %dma_wait3A_153, %dma_wait3A_154] : memref<16x160x128xi32, #tpu.memory_space<hbm>> -> memref<1x160x128xi32, #tpu.memory_space<hbm>>
      %dma_wait3A_156 = tpu.memref_squeeze %dma_wait3A_155 : memref<1x160x128xi32, #tpu.memory_space<hbm>> -> memref<160x128xi32, #tpu.memory_space<hbm>>
      %dma_wait3A_157 = arith.constant 0 : i32
      %dma_wait3A_158 = arith.constant 0 : i32
      %dma_wait3A_159 = tpu.memref_slice %arg4[%arg1, %dma_wait3A_157, %dma_wait3A_158] : memref<16x160x128xi32, #tpu.memory_space<hbm>> -> memref<1x160x128xi32, #tpu.memory_space<hbm>>
      %dma_wait3A_160 = tpu.memref_squeeze %dma_wait3A_159 : memref<1x160x128xi32, #tpu.memory_space<hbm>> -> memref<160x128xi32, #tpu.memory_space<hbm>>
      tpu.wait_dma2 semaphore(%run_scoped3A_144 : memref<!tpu.dma_semaphore, #tpu.memory_space<semaphore_mem>>) src(%dma_wait3A_160 : memref<160x128xi32, #tpu.memory_space<hbm>>) dst(%arg8 : memref<160x128xi32, #tpu.memory_space<vmem>>)
      tpu.yield
    }) : () -> ()
    %dma_start3A = arith.constant 0 : i32
    %dma_start3A_1 = arith.constant 0 : i32
    %dma_start3A_2 = arith.constant 0 : i32
    %dma_start3A_3 = arith.constant 0 : i32
    %dma_start3A_4 = tpu.memref_slice %arg9[%dma_start3A_1, %dma_start3A_2, %dma_start3A_3] : memref<4x128x72xf32, #tpu.memory_space<vmem>> -> memref<1x128x72xf32, #tpu.memory_space<vmem>>
    %dma_start3A_5 = tpu.memref_squeeze %dma_start3A_4 : memref<1x128x72xf32, #tpu.memory_space<vmem>> -> memref<128x72xf32, #tpu.memory_space<vmem>>
    %dma_start3A_6 = arith.constant 0 : i32
    %dma_start3A_7 = tpu.memref_slice %arg7[%dma_start3A, %dma_start3A_6] : memref<160x128xi32, #tpu.memory_space<vmem>> -> memref<1x128xi32, #tpu.memory_space<vmem>>
    %dma_start3A_8 = tpu.memref_squeeze %dma_start3A_7 : memref<1x128xi32, #tpu.memory_space<vmem>> -> memref<128xi32, #tpu.memory_space<vmem>>
    %dma_start3A_9 = arith.constant 0 : i32
    %dma_start3A_10 = arith.constant 0 : i32
    %dma_start3A_11 = tpu.memref_slice %arg2[%arg0, %dma_start3A_9, %dma_start3A_10] : memref<2x10001x72xf32, #tpu.memory_space<hbm>> -> memref<1x10001x72xf32, #tpu.memory_space<hbm>>
    %dma_start3A_12 = tpu.memref_squeeze %dma_start3A_11 : memref<1x10001x72xf32, #tpu.memory_space<hbm>> -> memref<10001x72xf32, #tpu.memory_space<hbm>>
    %dma_start3A_13 = arith.constant 0 : i32
    %dma_start3A_14 = arith.constant 0 : i32
    %dma_start3A_15 = tpu.memref_slice %dma_start3A_12[%dma_start3A_13, %dma_start3A_14] : memref<10001x72xf32, #tpu.memory_space<hbm>> -> memref<10001x72xf32, #tpu.memory_space<hbm>>
    tpu.enqueue_indirect_dma source(%dma_start3A_15 : memref<10001x72xf32, #tpu.memory_space<hbm>>) target(%dma_start3A_5 : memref<128x72xf32, #tpu.memory_space<vmem>>) offsets(%dma_start3A_8 : memref<128xi32, #tpu.memory_space<vmem>>) semaphore(%arg11 : memref<!tpu.dma_semaphore, #tpu.memory_space<semaphore_mem>>)
    %dma_start3A_16 = arith.constant 1 : i32
    %dma_start3A_17 = arith.constant 1 : i32
    %dma_start3A_18 = arith.constant 0 : i32
    %dma_start3A_19 = arith.constant 0 : i32
    %dma_start3A_20 = tpu.memref_slice %arg9[%dma_start3A_17, %dma_start3A_18, %dma_start3A_19] : memref<4x128x72xf32, #tpu.memory_space<vmem>> -> memref<1x128x72xf32, #tpu.memory_space<vmem>>
    %dma_start3A_21 = tpu.memref_squeeze %dma_start3A_20 : memref<1x128x72xf32, #tpu.memory_space<vmem>> -> memref<128x72xf32, #tpu.memory_space<vmem>>
    %dma_start3A_22 = arith.constant 0 : i32
    %dma_start3A_23 = tpu.memref_slice %arg7[%dma_start3A_16, %dma_start3A_22] : memref<160x128xi32, #tpu.memory_space<vmem>> -> memref<1x128xi32, #tpu.memory_space<vmem>>
    %dma_start3A_24 = tpu.memref_squeeze %dma_start3A_23 : memref<1x128xi32, #tpu.memory_space<vmem>> -> memref<128xi32, #tpu.memory_space<vmem>>
    %dma_start3A_25 = arith.constant 0 : i32
    %dma_start3A_26 = arith.constant 0 : i32
    %dma_start3A_27 = tpu.memref_slice %arg2[%arg0, %dma_start3A_25, %dma_start3A_26] : memref<2x10001x72xf32, #tpu.memory_space<hbm>> -> memref<1x10001x72xf32, #tpu.memory_space<hbm>>
    %dma_start3A_28 = tpu.memref_squeeze %dma_start3A_27 : memref<1x10001x72xf32, #tpu.memory_space<hbm>> -> memref<10001x72xf32, #tpu.memory_space<hbm>>
    %dma_start3A_29 = arith.constant 0 : i32
    %dma_start3A_30 = arith.constant 0 : i32
    %dma_start3A_31 = tpu.memref_slice %dma_start3A_28[%dma_start3A_29, %dma_start3A_30] : memref<10001x72xf32, #tpu.memory_space<hbm>> -> memref<10001x72xf32, #tpu.memory_space<hbm>>
    tpu.enqueue_indirect_dma source(%dma_start3A_31 : memref<10001x72xf32, #tpu.memory_space<hbm>>) target(%dma_start3A_21 : memref<128x72xf32, #tpu.memory_space<vmem>>) offsets(%dma_start3A_24 : memref<128xi32, #tpu.memory_space<vmem>>) semaphore(%arg12 : memref<!tpu.dma_semaphore, #tpu.memory_space<semaphore_mem>>)
    %dma_start3A_32 = arith.constant 2 : i32
    %dma_start3A_33 = arith.constant 2 : i32
    %dma_start3A_34 = arith.constant 0 : i32
    %dma_start3A_35 = arith.constant 0 : i32
    %dma_start3A_36 = tpu.memref_slice %arg9[%dma_start3A_33, %dma_start3A_34, %dma_start3A_35] : memref<4x128x72xf32, #tpu.memory_space<vmem>> -> memref<1x128x72xf32, #tpu.memory_space<vmem>>
    %dma_start3A_37 = tpu.memref_squeeze %dma_start3A_36 : memref<1x128x72xf32, #tpu.memory_space<vmem>> -> memref<128x72xf32, #tpu.memory_space<vmem>>
    %dma_start3A_38 = arith.constant 0 : i32
    %dma_start3A_39 = tpu.memref_slice %arg7[%dma_start3A_32, %dma_start3A_38] : memref<160x128xi32, #tpu.memory_space<vmem>> -> memref<1x128xi32, #tpu.memory_space<vmem>>
    %dma_start3A_40 = tpu.memref_squeeze %dma_start3A_39 : memref<1x128xi32, #tpu.memory_space<vmem>> -> memref<128xi32, #tpu.memory_space<vmem>>
    %dma_start3A_41 = arith.constant 0 : i32
    %dma_start3A_42 = arith.constant 0 : i32
    %dma_start3A_43 = tpu.memref_slice %arg2[%arg0, %dma_start3A_41, %dma_start3A_42] : memref<2x10001x72xf32, #tpu.memory_space<hbm>> -> memref<1x10001x72xf32, #tpu.memory_space<hbm>>
    %dma_start3A_44 = tpu.memref_squeeze %dma_start3A_43 : memref<1x10001x72xf32, #tpu.memory_space<hbm>> -> memref<10001x72xf32, #tpu.memory_space<hbm>>
    %dma_start3A_45 = arith.constant 0 : i32
    %dma_start3A_46 = arith.constant 0 : i32
    %dma_start3A_47 = tpu.memref_slice %dma_start3A_44[%dma_start3A_45, %dma_start3A_46] : memref<10001x72xf32, #tpu.memory_space<hbm>> -> memref<10001x72xf32, #tpu.memory_space<hbm>>
    tpu.enqueue_indirect_dma source(%dma_start3A_47 : memref<10001x72xf32, #tpu.memory_space<hbm>>) target(%dma_start3A_37 : memref<128x72xf32, #tpu.memory_space<vmem>>) offsets(%dma_start3A_40 : memref<128xi32, #tpu.memory_space<vmem>>) semaphore(%arg13 : memref<!tpu.dma_semaphore, #tpu.memory_space<semaphore_mem>>)
    %dma_start3A_48 = arith.constant 3 : i32
    %dma_start3A_49 = arith.constant 3 : i32
    %dma_start3A_50 = arith.constant 0 : i32
    %dma_start3A_51 = arith.constant 0 : i32
    %dma_start3A_52 = tpu.memref_slice %arg9[%dma_start3A_49, %dma_start3A_50, %dma_start3A_51] : memref<4x128x72xf32, #tpu.memory_space<vmem>> -> memref<1x128x72xf32, #tpu.memory_space<vmem>>
    %dma_start3A_53 = tpu.memref_squeeze %dma_start3A_52 : memref<1x128x72xf32, #tpu.memory_space<vmem>> -> memref<128x72xf32, #tpu.memory_space<vmem>>
    %dma_start3A_54 = arith.constant 0 : i32
    %dma_start3A_55 = tpu.memref_slice %arg7[%dma_start3A_48, %dma_start3A_54] : memref<160x128xi32, #tpu.memory_space<vmem>> -> memref<1x128xi32, #tpu.memory_space<vmem>>
    %dma_start3A_56 = tpu.memref_squeeze %dma_start3A_55 : memref<1x128xi32, #tpu.memory_space<vmem>> -> memref<128xi32, #tpu.memory_space<vmem>>
    %dma_start3A_57 = arith.constant 0 : i32
    %dma_start3A_58 = arith.constant 0 : i32
    %dma_start3A_59 = tpu.memref_slice %arg2[%arg0, %dma_start3A_57, %dma_start3A_58] : memref<2x10001x72xf32, #tpu.memory_space<hbm>> -> memref<1x10001x72xf32, #tpu.memory_space<hbm>>
    %dma_start3A_60 = tpu.memref_squeeze %dma_start3A_59 : memref<1x10001x72xf32, #tpu.memory_space<hbm>> -> memref<10001x72xf32, #tpu.memory_space<hbm>>
    %dma_start3A_61 = arith.constant 0 : i32
    %dma_start3A_62 = arith.constant 0 : i32
    %dma_start3A_63 = tpu.memref_slice %dma_start3A_60[%dma_start3A_61, %dma_start3A_62] : memref<10001x72xf32, #tpu.memory_space<hbm>> -> memref<10001x72xf32, #tpu.memory_space<hbm>>
    tpu.enqueue_indirect_dma source(%dma_start3A_63 : memref<10001x72xf32, #tpu.memory_space<hbm>>) target(%dma_start3A_53 : memref<128x72xf32, #tpu.memory_space<vmem>>) offsets(%dma_start3A_56 : memref<128xi32, #tpu.memory_space<vmem>>) semaphore(%arg14 : memref<!tpu.dma_semaphore, #tpu.memory_space<semaphore_mem>>)
    %scan3A = arith.constant 0 : i32
    %scan3A_64 = arith.constant 0 : i32
    %scan3A_65 = arith.constant 1 : i32
    %scan3A_66 = arith.constant 2 : i32
    %scan3A_67 = arith.constant 3 : i32
    %scan3A_68 = arith.constant 0 : i32
    %scan3A_69 = arith.constant 39 : i32
    %scan3A_70 = arith.addi %scan3A_68, %scan3A_69 : i32
    %scan3A_71 = arith.constant 1 : i32
    scf.for %scan3A_144 = %scan3A_68 to %scan3A_70 step %scan3A_71  : i32 {
      %mul3A_145 = arith.constant 4 : i32
      %mul3A_146 = arith.muli %scan3A_144, %mul3A_145 : i32
      %add3A = arith.constant 0 : i32
      %add3A_147 = arith.addi %mul3A_146, %add3A : i32
      %dma_wait3A_148 = arith.constant 0 : i32
      %dma_wait3A_149 = arith.constant 0 : i32
      %dma_wait3A_150 = tpu.memref_slice %arg9[%scan3A_64, %dma_wait3A_148, %dma_wait3A_149] : memref<4x128x72xf32, #tpu.memory_space<vmem>> -> memref<1x128x72xf32, #tpu.memory_space<vmem>>
      %dma_wait3A_151 = tpu.memref_squeeze %dma_wait3A_150 : memref<1x128x72xf32, #tpu.memory_space<vmem>> -> memref<128x72xf32, #tpu.memory_space<vmem>>
      %dma_wait3A_152 = arith.constant 0 : i32
      %dma_wait3A_153 = tpu.memref_slice %arg7[%add3A_147, %dma_wait3A_152] : memref<160x128xi32, #tpu.memory_space<vmem>> -> memref<1x128xi32, #tpu.memory_space<vmem>>
      %dma_wait3A_154 = tpu.memref_squeeze %dma_wait3A_153 : memref<1x128xi32, #tpu.memory_space<vmem>> -> memref<128xi32, #tpu.memory_space<vmem>>
      %dma_wait3A_155 = arith.constant 0 : i32
      %dma_wait3A_156 = arith.constant 0 : i32
      %dma_wait3A_157 = tpu.memref_slice %arg2[%arg0, %dma_wait3A_155, %dma_wait3A_156] : memref<2x10001x72xf32, #tpu.memory_space<hbm>> -> memref<1x10001x72xf32, #tpu.memory_space<hbm>>
      %dma_wait3A_158 = tpu.memref_squeeze %dma_wait3A_157 : memref<1x10001x72xf32, #tpu.memory_space<hbm>> -> memref<10001x72xf32, #tpu.memory_space<hbm>>
      %dma_wait3A_159 = arith.constant 0 : i32
      %dma_wait3A_160 = arith.constant 0 : i32
      %dma_wait3A_161 = tpu.memref_slice %dma_wait3A_158[%dma_wait3A_159, %dma_wait3A_160] : memref<10001x72xf32, #tpu.memory_space<hbm>> -> memref<10001x72xf32, #tpu.memory_space<hbm>>
      tpu.wait_indirect_dma semaphore(%arg11 : memref<!tpu.dma_semaphore, #tpu.memory_space<semaphore_mem>>) src(%dma_wait3A_161 : memref<10001x72xf32, #tpu.memory_space<hbm>>) dst(%dma_wait3A_151 : memref<128x72xf32, #tpu.memory_space<vmem>>)
      %add3A_162 = arith.constant 0 : i32
      %add3A_163 = arith.addi %mul3A_146, %add3A_162 : i32
      "tpu.region"() ({
        %run_scoped3A_290 = tpu.sem_alloc : memref<!tpu.dma_semaphore, #tpu.memory_space<semaphore_mem>>
        %dma_start3A_291 = arith.constant 0 : i32
        %dma_start3A_292 = arith.constant 0 : i32
        %dma_start3A_293 = tpu.memref_slice %arg9[%scan3A_64, %dma_start3A_291, %dma_start3A_292] : memref<4x128x72xf32, #tpu.memory_space<vmem>> -> memref<1x128x72xf32, #tpu.memory_space<vmem>>
        %dma_start3A_294 = tpu.memref_squeeze %dma_start3A_293 : memref<1x128x72xf32, #tpu.memory_space<vmem>> -> memref<128x72xf32, #tpu.memory_space<vmem>>
        %dma_start3A_295 = arith.constant 0 : i32
        %dma_start3A_296 = tpu.memref_slice %arg8[%add3A_163, %dma_start3A_295] : memref<160x128xi32, #tpu.memory_space<vmem>> -> memref<1x128xi32, #tpu.memory_space<vmem>>
        %dma_start3A_297 = tpu.memref_squeeze %dma_start3A_296 : memref<1x128xi32, #tpu.memory_space<vmem>> -> memref<128xi32, #tpu.memory_space<vmem>>
        %dma_start3A_298 = arith.constant 0 : i32
        %dma_start3A_299 = arith.constant 0 : i32
        %dma_start3A_300 = tpu.memref_slice %arg10[%dma_start3A_298, %dma_start3A_299] : memref<10000x72xf32, #tpu.memory_space<vmem_shared>> -> memref<10000x72xf32, #tpu.memory_space<vmem_shared>>
        tpu.enqueue_indirect_dma source(%dma_start3A_294 : memref<128x72xf32, #tpu.memory_space<vmem>>) target(%dma_start3A_300 : memref<10000x72xf32, #tpu.memory_space<vmem_shared>>) offsets(%dma_start3A_297 : memref<128xi32, #tpu.memory_space<vmem>>) semaphore(%run_scoped3A_290 : memref<!tpu.dma_semaphore, #tpu.memory_space<semaphore_mem>>) {add = true}
        %dma_wait3A_301 = arith.constant 0 : i32
        %dma_wait3A_302 = arith.constant 0 : i32
        %dma_wait3A_303 = tpu.memref_slice %arg9[%scan3A_64, %dma_wait3A_301, %dma_wait3A_302] : memref<4x128x72xf32, #tpu.memory_space<vmem>> -> memref<1x128x72xf32, #tpu.memory_space<vmem>>
        %dma_wait3A_304 = tpu.memref_squeeze %dma_wait3A_303 : memref<1x128x72xf32, #tpu.memory_space<vmem>> -> memref<128x72xf32, #tpu.memory_space<vmem>>
        %dma_wait3A_305 = arith.constant 0 : i32
        %dma_wait3A_306 = tpu.memref_slice %arg8[%add3A_163, %dma_wait3A_305] : memref<160x128xi32, #tpu.memory_space<vmem>> -> memref<1x128xi32, #tpu.memory_space<vmem>>
        %dma_wait3A_307 = tpu.memref_squeeze %dma_wait3A_306 : memref<1x128xi32, #tpu.memory_space<vmem>> -> memref<128xi32, #tpu.memory_space<vmem>>
        %dma_wait3A_308 = arith.constant 0 : i32
        %dma_wait3A_309 = arith.constant 0 : i32
        %dma_wait3A_310 = tpu.memref_slice %arg10[%dma_wait3A_308, %dma_wait3A_309] : memref<10000x72xf32, #tpu.memory_space<vmem_shared>> -> memref<10000x72xf32, #tpu.memory_space<vmem_shared>>
        tpu.wait_indirect_dma semaphore(%run_scoped3A_290 : memref<!tpu.dma_semaphore, #tpu.memory_space<semaphore_mem>>) src(%dma_wait3A_304 : memref<128x72xf32, #tpu.memory_space<vmem>>) dst(%dma_wait3A_310 : memref<10000x72xf32, #tpu.memory_space<vmem_shared>>)
        tpu.yield
      }) : () -> ()
      %add3A_164 = arith.constant 4 : i32
      %add3A_165 = arith.addi %mul3A_146, %add3A_164 : i32
      %add3A_166 = arith.constant 0 : i32
      %add3A_167 = arith.addi %add3A_165, %add3A_166 : i32
      %dma_start3A_168 = arith.constant 0 : i32
      %dma_start3A_169 = arith.constant 0 : i32
      %dma_start3A_170 = tpu.memref_slice %arg9[%scan3A_64, %dma_start3A_168, %dma_start3A_169] : memref<4x128x72xf32, #tpu.memory_space<vmem>> -> memref<1x128x72xf32, #tpu.memory_space<vmem>>
      %dma_start3A_171 = tpu.memref_squeeze %dma_start3A_170 : memref<1x128x72xf32, #tpu.memory_space<vmem>> -> memref<128x72xf32, #tpu.memory_space<vmem>>
      %dma_start3A_172 = arith.constant 0 : i32
      %dma_start3A_173 = tpu.memref_slice %arg7[%add3A_167, %dma_start3A_172] : memref<160x128xi32, #tpu.memory_space<vmem>> -> memref<1x128xi32, #tpu.memory_space<vmem>>
      %dma_start3A_174 = tpu.memref_squeeze %dma_start3A_173 : memref<1x128xi32, #tpu.memory_space<vmem>> -> memref<128xi32, #tpu.memory_space<vmem>>
      %dma_start3A_175 = arith.constant 0 : i32
      %dma_start3A_176 = arith.constant 0 : i32
      %dma_start3A_177 = tpu.memref_slice %arg2[%arg0, %dma_start3A_175, %dma_start3A_176] : memref<2x10001x72xf32, #tpu.memory_space<hbm>> -> memref<1x10001x72xf32, #tpu.memory_space<hbm>>
      %dma_start3A_178 = tpu.memref_squeeze %dma_start3A_177 : memref<1x10001x72xf32, #tpu.memory_space<hbm>> -> memref<10001x72xf32, #tpu.memory_space<hbm>>
      %dma_start3A_179 = arith.constant 0 : i32
      %dma_start3A_180 = arith.constant 0 : i32
      %dma_start3A_181 = tpu.memref_slice %dma_start3A_178[%dma_start3A_179, %dma_start3A_180] : memref<10001x72xf32, #tpu.memory_space<hbm>> -> memref<10001x72xf32, #tpu.memory_space<hbm>>
      tpu.enqueue_indirect_dma source(%dma_start3A_181 : memref<10001x72xf32, #tpu.memory_space<hbm>>) target(%dma_start3A_171 : memref<128x72xf32, #tpu.memory_space<vmem>>) offsets(%dma_start3A_174 : memref<128xi32, #tpu.memory_space<vmem>>) semaphore(%arg11 : memref<!tpu.dma_semaphore, #tpu.memory_space<semaphore_mem>>)
      %add3A_182 = arith.constant 1 : i32
      %add3A_183 = arith.addi %mul3A_146, %add3A_182 : i32
      %dma_wait3A_184 = arith.constant 0 : i32
      %dma_wait3A_185 = arith.constant 0 : i32
      %dma_wait3A_186 = tpu.memref_slice %arg9[%scan3A_65, %dma_wait3A_184, %dma_wait3A_185] : memref<4x128x72xf32, #tpu.memory_space<vmem>> -> memref<1x128x72xf32, #tpu.memory_space<vmem>>
      %dma_wait3A_187 = tpu.memref_squeeze %dma_wait3A_186 : memref<1x128x72xf32, #tpu.memory_space<vmem>> -> memref<128x72xf32, #tpu.memory_space<vmem>>
      %dma_wait3A_188 = arith.constant 0 : i32
      %dma_wait3A_189 = tpu.memref_slice %arg7[%add3A_183, %dma_wait3A_188] : memref<160x128xi32, #tpu.memory_space<vmem>> -> memref<1x128xi32, #tpu.memory_space<vmem>>
      %dma_wait3A_190 = tpu.memref_squeeze %dma_wait3A_189 : memref<1x128xi32, #tpu.memory_space<vmem>> -> memref<128xi32, #tpu.memory_space<vmem>>
      %dma_wait3A_191 = arith.constant 0 : i32
      %dma_wait3A_192 = arith.constant 0 : i32
      %dma_wait3A_193 = tpu.memref_slice %arg2[%arg0, %dma_wait3A_191, %dma_wait3A_192] : memref<2x10001x72xf32, #tpu.memory_space<hbm>> -> memref<1x10001x72xf32, #tpu.memory_space<hbm>>
      %dma_wait3A_194 = tpu.memref_squeeze %dma_wait3A_193 : memref<1x10001x72xf32, #tpu.memory_space<hbm>> -> memref<10001x72xf32, #tpu.memory_space<hbm>>
      %dma_wait3A_195 = arith.constant 0 : i32
      %dma_wait3A_196 = arith.constant 0 : i32
      %dma_wait3A_197 = tpu.memref_slice %dma_wait3A_194[%dma_wait3A_195, %dma_wait3A_196] : memref<10001x72xf32, #tpu.memory_space<hbm>> -> memref<10001x72xf32, #tpu.memory_space<hbm>>
      tpu.wait_indirect_dma semaphore(%arg12 : memref<!tpu.dma_semaphore, #tpu.memory_space<semaphore_mem>>) src(%dma_wait3A_197 : memref<10001x72xf32, #tpu.memory_space<hbm>>) dst(%dma_wait3A_187 : memref<128x72xf32, #tpu.memory_space<vmem>>)
      %add3A_198 = arith.constant 1 : i32
      %add3A_199 = arith.addi %mul3A_146, %add3A_198 : i32
      "tpu.region"() ({
        %run_scoped3A_290 = tpu.sem_alloc : memref<!tpu.dma_semaphore, #tpu.memory_space<semaphore_mem>>
        %dma_start3A_291 = arith.constant 0 : i32
        %dma_start3A_292 = arith.constant 0 : i32
        %dma_start3A_293 = tpu.memref_slice %arg9[%scan3A_65, %dma_start3A_291, %dma_start3A_292] : memref<4x128x72xf32, #tpu.memory_space<vmem>> -> memref<1x128x72xf32, #tpu.memory_space<vmem>>
        %dma_start3A_294 = tpu.memref_squeeze %dma_start3A_293 : memref<1x128x72xf32, #tpu.memory_space<vmem>> -> memref<128x72xf32, #tpu.memory_space<vmem>>
        %dma_start3A_295 = arith.constant 0 : i32
        %dma_start3A_296 = tpu.memref_slice %arg8[%add3A_199, %dma_start3A_295] : memref<160x128xi32, #tpu.memory_space<vmem>> -> memref<1x128xi32, #tpu.memory_space<vmem>>
        %dma_start3A_297 = tpu.memref_squeeze %dma_start3A_296 : memref<1x128xi32, #tpu.memory_space<vmem>> -> memref<128xi32, #tpu.memory_space<vmem>>
        %dma_start3A_298 = arith.constant 0 : i32
        %dma_start3A_299 = arith.constant 0 : i32
        %dma_start3A_300 = tpu.memref_slice %arg10[%dma_start3A_298, %dma_start3A_299] : memref<10000x72xf32, #tpu.memory_space<vmem_shared>> -> memref<10000x72xf32, #tpu.memory_space<vmem_shared>>
        tpu.enqueue_indirect_dma source(%dma_start3A_294 : memref<128x72xf32, #tpu.memory_space<vmem>>) target(%dma_start3A_300 : memref<10000x72xf32, #tpu.memory_space<vmem_shared>>) offsets(%dma_start3A_297 : memref<128xi32, #tpu.memory_space<vmem>>) semaphore(%run_scoped3A_290 : memref<!tpu.dma_semaphore, #tpu.memory_space<semaphore_mem>>) {add = true}
        %dma_wait3A_301 = arith.constant 0 : i32
        %dma_wait3A_302 = arith.constant 0 : i32
        %dma_wait3A_303 = tpu.memref_slice %arg9[%scan3A_65, %dma_wait3A_301, %dma_wait3A_302] : memref<4x128x72xf32, #tpu.memory_space<vmem>> -> memref<1x128x72xf32, #tpu.memory_space<vmem>>
        %dma_wait3A_304 = tpu.memref_squeeze %dma_wait3A_303 : memref<1x128x72xf32, #tpu.memory_space<vmem>> -> memref<128x72xf32, #tpu.memory_space<vmem>>
        %dma_wait3A_305 = arith.constant 0 : i32
        %dma_wait3A_306 = tpu.memref_slice %arg8[%add3A_199, %dma_wait3A_305] : memref<160x128xi32, #tpu.memory_space<vmem>> -> memref<1x128xi32, #tpu.memory_space<vmem>>
        %dma_wait3A_307 = tpu.memref_squeeze %dma_wait3A_306 : memref<1x128xi32, #tpu.memory_space<vmem>> -> memref<128xi32, #tpu.memory_space<vmem>>
        %dma_wait3A_308 = arith.constant 0 : i32
        %dma_wait3A_309 = arith.constant 0 : i32
        %dma_wait3A_310 = tpu.memref_slice %arg10[%dma_wait3A_308, %dma_wait3A_309] : memref<10000x72xf32, #tpu.memory_space<vmem_shared>> -> memref<10000x72xf32, #tpu.memory_space<vmem_shared>>
        tpu.wait_indirect_dma semaphore(%run_scoped3A_290 : memref<!tpu.dma_semaphore, #tpu.memory_space<semaphore_mem>>) src(%dma_wait3A_304 : memref<128x72xf32, #tpu.memory_space<vmem>>) dst(%dma_wait3A_310 : memref<10000x72xf32, #tpu.memory_space<vmem_shared>>)
        tpu.yield
      }) : () -> ()
      %add3A_200 = arith.constant 4 : i32
      %add3A_201 = arith.addi %mul3A_146, %add3A_200 : i32
      %add3A_202 = arith.constant 1 : i32
      %add3A_203 = arith.addi %add3A_201, %add3A_202 : i32
      %dma_start3A_204 = arith.constant 0 : i32
      %dma_start3A_205 = arith.constant 0 : i32
      %dma_start3A_206 = tpu.memref_slice %arg9[%scan3A_65, %dma_start3A_204, %dma_start3A_205] : memref<4x128x72xf32, #tpu.memory_space<vmem>> -> memref<1x128x72xf32, #tpu.memory_space<vmem>>
      %dma_start3A_207 = tpu.memref_squeeze %dma_start3A_206 : memref<1x128x72xf32, #tpu.memory_space<vmem>> -> memref<128x72xf32, #tpu.memory_space<vmem>>
      %dma_start3A_208 = arith.constant 0 : i32
      %dma_start3A_209 = tpu.memref_slice %arg7[%add3A_203, %dma_start3A_208] : memref<160x128xi32, #tpu.memory_space<vmem>> -> memref<1x128xi32, #tpu.memory_space<vmem>>
      %dma_start3A_210 = tpu.memref_squeeze %dma_start3A_209 : memref<1x128xi32, #tpu.memory_space<vmem>> -> memref<128xi32, #tpu.memory_space<vmem>>
      %dma_start3A_211 = arith.constant 0 : i32
      %dma_start3A_212 = arith.constant 0 : i32
      %dma_start3A_213 = tpu.memref_slice %arg2[%arg0, %dma_start3A_211, %dma_start3A_212] : memref<2x10001x72xf32, #tpu.memory_space<hbm>> -> memref<1x10001x72xf32, #tpu.memory_space<hbm>>
      %dma_start3A_214 = tpu.memref_squeeze %dma_start3A_213 : memref<1x10001x72xf32, #tpu.memory_space<hbm>> -> memref<10001x72xf32, #tpu.memory_space<hbm>>
      %dma_start3A_215 = arith.constant 0 : i32
      %dma_start3A_216 = arith.constant 0 : i32
      %dma_start3A_217 = tpu.memref_slice %dma_start3A_214[%dma_start3A_215, %dma_start3A_216] : memref<10001x72xf32, #tpu.memory_space<hbm>> -> memref<10001x72xf32, #tpu.memory_space<hbm>>
      tpu.enqueue_indirect_dma source(%dma_start3A_217 : memref<10001x72xf32, #tpu.memory_space<hbm>>) target(%dma_start3A_207 : memref<128x72xf32, #tpu.memory_space<vmem>>) offsets(%dma_start3A_210 : memref<128xi32, #tpu.memory_space<vmem>>) semaphore(%arg12 : memref<!tpu.dma_semaphore, #tpu.memory_space<semaphore_mem>>)
      %add3A_218 = arith.constant 2 : i32
      %add3A_219 = arith.addi %mul3A_146, %add3A_218 : i32
      %dma_wait3A_220 = arith.constant 0 : i32
      %dma_wait3A_221 = arith.constant 0 : i32
      %dma_wait3A_222 = tpu.memref_slice %arg9[%scan3A_66, %dma_wait3A_220, %dma_wait3A_221] : memref<4x128x72xf32, #tpu.memory_space<vmem>> -> memref<1x128x72xf32, #tpu.memory_space<vmem>>
      %dma_wait3A_223 = tpu.memref_squeeze %dma_wait3A_222 : memref<1x128x72xf32, #tpu.memory_space<vmem>> -> memref<128x72xf32, #tpu.memory_space<vmem>>
      %dma_wait3A_224 = arith.constant 0 : i32
      %dma_wait3A_225 = tpu.memref_slice %arg7[%add3A_219, %dma_wait3A_224] : memref<160x128xi32, #tpu.memory_space<vmem>> -> memref<1x128xi32, #tpu.memory_space<vmem>>
      %dma_wait3A_226 = tpu.memref_squeeze %dma_wait3A_225 : memref<1x128xi32, #tpu.memory_space<vmem>> -> memref<128xi32, #tpu.memory_space<vmem>>
      %dma_wait3A_227 = arith.constant 0 : i32
      %dma_wait3A_228 = arith.constant 0 : i32
      %dma_wait3A_229 = tpu.memref_slice %arg2[%arg0, %dma_wait3A_227, %dma_wait3A_228] : memref<2x10001x72xf32, #tpu.memory_space<hbm>> -> memref<1x10001x72xf32, #tpu.memory_space<hbm>>
      %dma_wait3A_230 = tpu.memref_squeeze %dma_wait3A_229 : memref<1x10001x72xf32, #tpu.memory_space<hbm>> -> memref<10001x72xf32, #tpu.memory_space<hbm>>
      %dma_wait3A_231 = arith.constant 0 : i32
      %dma_wait3A_232 = arith.constant 0 : i32
      %dma_wait3A_233 = tpu.memref_slice %dma_wait3A_230[%dma_wait3A_231, %dma_wait3A_232] : memref<10001x72xf32, #tpu.memory_space<hbm>> -> memref<10001x72xf32, #tpu.memory_space<hbm>>
      tpu.wait_indirect_dma semaphore(%arg13 : memref<!tpu.dma_semaphore, #tpu.memory_space<semaphore_mem>>) src(%dma_wait3A_233 : memref<10001x72xf32, #tpu.memory_space<hbm>>) dst(%dma_wait3A_223 : memref<128x72xf32, #tpu.memory_space<vmem>>)
      %add3A_234 = arith.constant 2 : i32
      %add3A_235 = arith.addi %mul3A_146, %add3A_234 : i32
      "tpu.region"() ({
        %run_scoped3A_290 = tpu.sem_alloc : memref<!tpu.dma_semaphore, #tpu.memory_space<semaphore_mem>>
        %dma_start3A_291 = arith.constant 0 : i32
        %dma_start3A_292 = arith.constant 0 : i32
        %dma_start3A_293 = tpu.memref_slice %arg9[%scan3A_66, %dma_start3A_291, %dma_start3A_292] : memref<4x128x72xf32, #tpu.memory_space<vmem>> -> memref<1x128x72xf32, #tpu.memory_space<vmem>>
        %dma_start3A_294 = tpu.memref_squeeze %dma_start3A_293 : memref<1x128x72xf32, #tpu.memory_space<vmem>> -> memref<128x72xf32, #tpu.memory_space<vmem>>
        %dma_start3A_295 = arith.constant 0 : i32
        %dma_start3A_296 = tpu.memref_slice %arg8[%add3A_235, %dma_start3A_295] : memref<160x128xi32, #tpu.memory_space<vmem>> -> memref<1x128xi32, #tpu.memory_space<vmem>>
        %dma_start3A_297 = tpu.memref_squeeze %dma_start3A_296 : memref<1x128xi32, #tpu.memory_space<vmem>> -> memref<128xi32, #tpu.memory_space<vmem>>
        %dma_start3A_298 = arith.constant 0 : i32
        %dma_start3A_299 = arith.constant 0 : i32
        %dma_start3A_300 = tpu.memref_slice %arg10[%dma_start3A_298, %dma_start3A_299] : memref<10000x72xf32, #tpu.memory_space<vmem_shared>> -> memref<10000x72xf32, #tpu.memory_space<vmem_shared>>
        tpu.enqueue_indirect_dma source(%dma_start3A_294 : memref<128x72xf32, #tpu.memory_space<vmem>>) target(%dma_start3A_300 : memref<10000x72xf32, #tpu.memory_space<vmem_shared>>) offsets(%dma_start3A_297 : memref<128xi32, #tpu.memory_space<vmem>>) semaphore(%run_scoped3A_290 : memref<!tpu.dma_semaphore, #tpu.memory_space<semaphore_mem>>) {add = true}
        %dma_wait3A_301 = arith.constant 0 : i32
        %dma_wait3A_302 = arith.constant 0 : i32
        %dma_wait3A_303 = tpu.memref_slice %arg9[%scan3A_66, %dma_wait3A_301, %dma_wait3A_302] : memref<4x128x72xf32, #tpu.memory_space<vmem>> -> memref<1x128x72xf32, #tpu.memory_space<vmem>>
        %dma_wait3A_304 = tpu.memref_squeeze %dma_wait3A_303 : memref<1x128x72xf32, #tpu.memory_space<vmem>> -> memref<128x72xf32, #tpu.memory_space<vmem>>
        %dma_wait3A_305 = arith.constant 0 : i32
        %dma_wait3A_306 = tpu.memref_slice %arg8[%add3A_235, %dma_wait3A_305] : memref<160x128xi32, #tpu.memory_space<vmem>> -> memref<1x128xi32, #tpu.memory_space<vmem>>
        %dma_wait3A_307 = tpu.memref_squeeze %dma_wait3A_306 : memref<1x128xi32, #tpu.memory_space<vmem>> -> memref<128xi32, #tpu.memory_space<vmem>>
        %dma_wait3A_308 = arith.constant 0 : i32
        %dma_wait3A_309 = arith.constant 0 : i32
        %dma_wait3A_310 = tpu.memref_slice %arg10[%dma_wait3A_308, %dma_wait3A_309] : memref<10000x72xf32, #tpu.memory_space<vmem_shared>> -> memref<10000x72xf32, #tpu.memory_space<vmem_shared>>
        tpu.wait_indirect_dma semaphore(%run_scoped3A_290 : memref<!tpu.dma_semaphore, #tpu.memory_space<semaphore_mem>>) src(%dma_wait3A_304 : memref<128x72xf32, #tpu.memory_space<vmem>>) dst(%dma_wait3A_310 : memref<10000x72xf32, #tpu.memory_space<vmem_shared>>)
        tpu.yield
      }) : () -> ()
      %add3A_236 = arith.constant 4 : i32
      %add3A_237 = arith.addi %mul3A_146, %add3A_236 : i32
      %add3A_238 = arith.constant 2 : i32
      %add3A_239 = arith.addi %add3A_237, %add3A_238 : i32
      %dma_start3A_240 = arith.constant 0 : i32
      %dma_start3A_241 = arith.constant 0 : i32
      %dma_start3A_242 = tpu.memref_slice %arg9[%scan3A_66, %dma_start3A_240, %dma_start3A_241] : memref<4x128x72xf32, #tpu.memory_space<vmem>> -> memref<1x128x72xf32, #tpu.memory_space<vmem>>
      %dma_start3A_243 = tpu.memref_squeeze %dma_start3A_242 : memref<1x128x72xf32, #tpu.memory_space<vmem>> -> memref<128x72xf32, #tpu.memory_space<vmem>>
      %dma_start3A_244 = arith.constant 0 : i32
      %dma_start3A_245 = tpu.memref_slice %arg7[%add3A_239, %dma_start3A_244] : memref<160x128xi32, #tpu.memory_space<vmem>> -> memref<1x128xi32, #tpu.memory_space<vmem>>
      %dma_start3A_246 = tpu.memref_squeeze %dma_start3A_245 : memref<1x128xi32, #tpu.memory_space<vmem>> -> memref<128xi32, #tpu.memory_space<vmem>>
      %dma_start3A_247 = arith.constant 0 : i32
      %dma_start3A_248 = arith.constant 0 : i32
      %dma_start3A_249 = tpu.memref_slice %arg2[%arg0, %dma_start3A_247, %dma_start3A_248] : memref<2x10001x72xf32, #tpu.memory_space<hbm>> -> memref<1x10001x72xf32, #tpu.memory_space<hbm>>
      %dma_start3A_250 = tpu.memref_squeeze %dma_start3A_249 : memref<1x10001x72xf32, #tpu.memory_space<hbm>> -> memref<10001x72xf32, #tpu.memory_space<hbm>>
      %dma_start3A_251 = arith.constant 0 : i32
      %dma_start3A_252 = arith.constant 0 : i32
      %dma_start3A_253 = tpu.memref_slice %dma_start3A_250[%dma_start3A_251, %dma_start3A_252] : memref<10001x72xf32, #tpu.memory_space<hbm>> -> memref<10001x72xf32, #tpu.memory_space<hbm>>
      tpu.enqueue_indirect_dma source(%dma_start3A_253 : memref<10001x72xf32, #tpu.memory_space<hbm>>) target(%dma_start3A_243 : memref<128x72xf32, #tpu.memory_space<vmem>>) offsets(%dma_start3A_246 : memref<128xi32, #tpu.memory_space<vmem>>) semaphore(%arg13 : memref<!tpu.dma_semaphore, #tpu.memory_space<semaphore_mem>>)
      %add3A_254 = arith.constant 3 : i32
      %add3A_255 = arith.addi %mul3A_146, %add3A_254 : i32
      %dma_wait3A_256 = arith.constant 0 : i32
      %dma_wait3A_257 = arith.constant 0 : i32
      %dma_wait3A_258 = tpu.memref_slice %arg9[%scan3A_67, %dma_wait3A_256, %dma_wait3A_257] : memref<4x128x72xf32, #tpu.memory_space<vmem>> -> memref<1x128x72xf32, #tpu.memory_space<vmem>>
      %dma_wait3A_259 = tpu.memref_squeeze %dma_wait3A_258 : memref<1x128x72xf32, #tpu.memory_space<vmem>> -> memref<128x72xf32, #tpu.memory_space<vmem>>
      %dma_wait3A_260 = arith.constant 0 : i32
      %dma_wait3A_261 = tpu.memref_slice %arg7[%add3A_255, %dma_wait3A_260] : memref<160x128xi32, #tpu.memory_space<vmem>> -> memref<1x128xi32, #tpu.memory_space<vmem>>
      %dma_wait3A_262 = tpu.memref_squeeze %dma_wait3A_261 : memref<1x128xi32, #tpu.memory_space<vmem>> -> memref<128xi32, #tpu.memory_space<vmem>>
      %dma_wait3A_263 = arith.constant 0 : i32
      %dma_wait3A_264 = arith.constant 0 : i32
      %dma_wait3A_265 = tpu.memref_slice %arg2[%arg0, %dma_wait3A_263, %dma_wait3A_264] : memref<2x10001x72xf32, #tpu.memory_space<hbm>> -> memref<1x10001x72xf32, #tpu.memory_space<hbm>>
      %dma_wait3A_266 = tpu.memref_squeeze %dma_wait3A_265 : memref<1x10001x72xf32, #tpu.memory_space<hbm>> -> memref<10001x72xf32, #tpu.memory_space<hbm>>
      %dma_wait3A_267 = arith.constant 0 : i32
      %dma_wait3A_268 = arith.constant 0 : i32
      %dma_wait3A_269 = tpu.memref_slice %dma_wait3A_266[%dma_wait3A_267, %dma_wait3A_268] : memref<10001x72xf32, #tpu.memory_space<hbm>> -> memref<10001x72xf32, #tpu.memory_space<hbm>>
      tpu.wait_indirect_dma semaphore(%arg14 : memref<!tpu.dma_semaphore, #tpu.memory_space<semaphore_mem>>) src(%dma_wait3A_269 : memref<10001x72xf32, #tpu.memory_space<hbm>>) dst(%dma_wait3A_259 : memref<128x72xf32, #tpu.memory_space<vmem>>)
      %add3A_270 = arith.constant 3 : i32
      %add3A_271 = arith.addi %mul3A_146, %add3A_270 : i32
      "tpu.region"() ({
        %run_scoped3A_290 = tpu.sem_alloc : memref<!tpu.dma_semaphore, #tpu.memory_space<semaphore_mem>>
        %dma_start3A_291 = arith.constant 0 : i32
        %dma_start3A_292 = arith.constant 0 : i32
        %dma_start3A_293 = tpu.memref_slice %arg9[%scan3A_67, %dma_start3A_291, %dma_start3A_292] : memref<4x128x72xf32, #tpu.memory_space<vmem>> -> memref<1x128x72xf32, #tpu.memory_space<vmem>>
        %dma_start3A_294 = tpu.memref_squeeze %dma_start3A_293 : memref<1x128x72xf32, #tpu.memory_space<vmem>> -> memref<128x72xf32, #tpu.memory_space<vmem>>
        %dma_start3A_295 = arith.constant 0 : i32
        %dma_start3A_296 = tpu.memref_slice %arg8[%add3A_271, %dma_start3A_295] : memref<160x128xi32, #tpu.memory_space<vmem>> -> memref<1x128xi32, #tpu.memory_space<vmem>>
        %dma_start3A_297 = tpu.memref_squeeze %dma_start3A_296 : memref<1x128xi32, #tpu.memory_space<vmem>> -> memref<128xi32, #tpu.memory_space<vmem>>
        %dma_start3A_298 = arith.constant 0 : i32
        %dma_start3A_299 = arith.constant 0 : i32
        %dma_start3A_300 = tpu.memref_slice %arg10[%dma_start3A_298, %dma_start3A_299] : memref<10000x72xf32, #tpu.memory_space<vmem_shared>> -> memref<10000x72xf32, #tpu.memory_space<vmem_shared>>
        tpu.enqueue_indirect_dma source(%dma_start3A_294 : memref<128x72xf32, #tpu.memory_space<vmem>>) target(%dma_start3A_300 : memref<10000x72xf32, #tpu.memory_space<vmem_shared>>) offsets(%dma_start3A_297 : memref<128xi32, #tpu.memory_space<vmem>>) semaphore(%run_scoped3A_290 : memref<!tpu.dma_semaphore, #tpu.memory_space<semaphore_mem>>) {add = true}
        %dma_wait3A_301 = arith.constant 0 : i32
        %dma_wait3A_302 = arith.constant 0 : i32
        %dma_wait3A_303 = tpu.memref_slice %arg9[%scan3A_67, %dma_wait3A_301, %dma_wait3A_302] : memref<4x128x72xf32, #tpu.memory_space<vmem>> -> memref<1x128x72xf32, #tpu.memory_space<vmem>>
        %dma_wait3A_304 = tpu.memref_squeeze %dma_wait3A_303 : memref<1x128x72xf32, #tpu.memory_space<vmem>> -> memref<128x72xf32, #tpu.memory_space<vmem>>
        %dma_wait3A_305 = arith.constant 0 : i32
        %dma_wait3A_306 = tpu.memref_slice %arg8[%add3A_271, %dma_wait3A_305] : memref<160x128xi32, #tpu.memory_space<vmem>> -> memref<1x128xi32, #tpu.memory_space<vmem>>
        %dma_wait3A_307 = tpu.memref_squeeze %dma_wait3A_306 : memref<1x128xi32, #tpu.memory_space<vmem>> -> memref<128xi32, #tpu.memory_space<vmem>>
        %dma_wait3A_308 = arith.constant 0 : i32
        %dma_wait3A_309 = arith.constant 0 : i32
        %dma_wait3A_310 = tpu.memref_slice %arg10[%dma_wait3A_308, %dma_wait3A_309] : memref<10000x72xf32, #tpu.memory_space<vmem_shared>> -> memref<10000x72xf32, #tpu.memory_space<vmem_shared>>
        tpu.wait_indirect_dma semaphore(%run_scoped3A_290 : memref<!tpu.dma_semaphore, #tpu.memory_space<semaphore_mem>>) src(%dma_wait3A_304 : memref<128x72xf32, #tpu.memory_space<vmem>>) dst(%dma_wait3A_310 : memref<10000x72xf32, #tpu.memory_space<vmem_shared>>)
        tpu.yield
      }) : () -> ()
      %add3A_272 = arith.constant 4 : i32
      %add3A_273 = arith.addi %mul3A_146, %add3A_272 : i32
      %add3A_274 = arith.constant 3 : i32
      %add3A_275 = arith.addi %add3A_273, %add3A_274 : i32
      %dma_start3A_276 = arith.constant 0 : i32
      %dma_start3A_277 = arith.constant 0 : i32
      %dma_start3A_278 = tpu.memref_slice %arg9[%scan3A_67, %dma_start3A_276, %dma_start3A_277] : memref<4x128x72xf32, #tpu.memory_space<vmem>> -> memref<1x128x72xf32, #tpu.memory_space<vmem>>
      %dma_start3A_279 = tpu.memref_squeeze %dma_start3A_278 : memref<1x128x72xf32, #tpu.memory_space<vmem>> -> memref<128x72xf32, #tpu.memory_space<vmem>>
      %dma_start3A_280 = arith.constant 0 : i32
      %dma_start3A_281 = tpu.memref_slice %arg7[%add3A_275, %dma_start3A_280] : memref<160x128xi32, #tpu.memory_space<vmem>> -> memref<1x128xi32, #tpu.memory_space<vmem>>
      %dma_start3A_282 = tpu.memref_squeeze %dma_start3A_281 : memref<1x128xi32, #tpu.memory_space<vmem>> -> memref<128xi32, #tpu.memory_space<vmem>>
      %dma_start3A_283 = arith.constant 0 : i32
      %dma_start3A_284 = arith.constant 0 : i32
      %dma_start3A_285 = tpu.memref_slice %arg2[%arg0, %dma_start3A_283, %dma_start3A_284] : memref<2x10001x72xf32, #tpu.memory_space<hbm>> -> memref<1x10001x72xf32, #tpu.memory_space<hbm>>
      %dma_start3A_286 = tpu.memref_squeeze %dma_start3A_285 : memref<1x10001x72xf32, #tpu.memory_space<hbm>> -> memref<10001x72xf32, #tpu.memory_space<hbm>>
      %dma_start3A_287 = arith.constant 0 : i32
      %dma_start3A_288 = arith.constant 0 : i32
      %dma_start3A_289 = tpu.memref_slice %dma_start3A_286[%dma_start3A_287, %dma_start3A_288] : memref<10001x72xf32, #tpu.memory_space<hbm>> -> memref<10001x72xf32, #tpu.memory_space<hbm>>
      tpu.enqueue_indirect_dma source(%dma_start3A_289 : memref<10001x72xf32, #tpu.memory_space<hbm>>) target(%dma_start3A_279 : memref<128x72xf32, #tpu.memory_space<vmem>>) offsets(%dma_start3A_282 : memref<128xi32, #tpu.memory_space<vmem>>) semaphore(%arg14 : memref<!tpu.dma_semaphore, #tpu.memory_space<semaphore_mem>>)
    }
    %scan3A_72 = arith.constant 39 : i32
    %dma_wait3A = arith.constant 156 : i32
    %dma_wait3A_73 = arith.constant 0 : i32
    %dma_wait3A_74 = arith.constant 0 : i32
    %dma_wait3A_75 = arith.constant 0 : i32
    %dma_wait3A_76 = tpu.memref_slice %arg9[%dma_wait3A_73, %dma_wait3A_74, %dma_wait3A_75] : memref<4x128x72xf32, #tpu.memory_space<vmem>> -> memref<1x128x72xf32, #tpu.memory_space<vmem>>
    %dma_wait3A_77 = tpu.memref_squeeze %dma_wait3A_76 : memref<1x128x72xf32, #tpu.memory_space<vmem>> -> memref<128x72xf32, #tpu.memory_space<vmem>>
    %dma_wait3A_78 = arith.constant 0 : i32
    %dma_wait3A_79 = tpu.memref_slice %arg7[%dma_wait3A, %dma_wait3A_78] : memref<160x128xi32, #tpu.memory_space<vmem>> -> memref<1x128xi32, #tpu.memory_space<vmem>>
    %dma_wait3A_80 = tpu.memref_squeeze %dma_wait3A_79 : memref<1x128xi32, #tpu.memory_space<vmem>> -> memref<128xi32, #tpu.memory_space<vmem>>
    %dma_wait3A_81 = arith.constant 0 : i32
    %dma_wait3A_82 = arith.constant 0 : i32
    %dma_wait3A_83 = tpu.memref_slice %arg2[%arg0, %dma_wait3A_81, %dma_wait3A_82] : memref<2x10001x72xf32, #tpu.memory_space<hbm>> -> memref<1x10001x72xf32, #tpu.memory_space<hbm>>
    %dma_wait3A_84 = tpu.memref_squeeze %dma_wait3A_83 : memref<1x10001x72xf32, #tpu.memory_space<hbm>> -> memref<10001x72xf32, #tpu.memory_space<hbm>>
    %dma_wait3A_85 = arith.constant 0 : i32
    %dma_wait3A_86 = arith.constant 0 : i32
    %dma_wait3A_87 = tpu.memref_slice %dma_wait3A_84[%dma_wait3A_85, %dma_wait3A_86] : memref<10001x72xf32, #tpu.memory_space<hbm>> -> memref<10001x72xf32, #tpu.memory_space<hbm>>
    tpu.wait_indirect_dma semaphore(%arg11 : memref<!tpu.dma_semaphore, #tpu.memory_space<semaphore_mem>>) src(%dma_wait3A_87 : memref<10001x72xf32, #tpu.memory_space<hbm>>) dst(%dma_wait3A_77 : memref<128x72xf32, #tpu.memory_space<vmem>>)
    %run_scoped3A = arith.constant 0 : i32
    %run_scoped3A_88 = arith.constant 156 : i32
    "tpu.region"() ({
      %run_scoped3A_144 = tpu.sem_alloc : memref<!tpu.dma_semaphore, #tpu.memory_space<semaphore_mem>>
      %dma_start3A_145 = arith.constant 0 : i32
      %dma_start3A_146 = arith.constant 0 : i32
      %dma_start3A_147 = tpu.memref_slice %arg9[%run_scoped3A, %dma_start3A_145, %dma_start3A_146] : memref<4x128x72xf32, #tpu.memory_space<vmem>> -> memref<1x128x72xf32, #tpu.memory_space<vmem>>
      %dma_start3A_148 = tpu.memref_squeeze %dma_start3A_147 : memref<1x128x72xf32, #tpu.memory_space<vmem>> -> memref<128x72xf32, #tpu.memory_space<vmem>>
      %dma_start3A_149 = arith.constant 0 : i32
      %dma_start3A_150 = tpu.memref_slice %arg8[%run_scoped3A_88, %dma_start3A_149] : memref<160x128xi32, #tpu.memory_space<vmem>> -> memref<1x128xi32, #tpu.memory_space<vmem>>
      %dma_start3A_151 = tpu.memref_squeeze %dma_start3A_150 : memref<1x128xi32, #tpu.memory_space<vmem>> -> memref<128xi32, #tpu.memory_space<vmem>>
      %dma_start3A_152 = arith.constant 0 : i32
      %dma_start3A_153 = arith.constant 0 : i32
      %dma_start3A_154 = tpu.memref_slice %arg10[%dma_start3A_152, %dma_start3A_153] : memref<10000x72xf32, #tpu.memory_space<vmem_shared>> -> memref<10000x72xf32, #tpu.memory_space<vmem_shared>>
      tpu.enqueue_indirect_dma source(%dma_start3A_148 : memref<128x72xf32, #tpu.memory_space<vmem>>) target(%dma_start3A_154 : memref<10000x72xf32, #tpu.memory_space<vmem_shared>>) offsets(%dma_start3A_151 : memref<128xi32, #tpu.memory_space<vmem>>) semaphore(%run_scoped3A_144 : memref<!tpu.dma_semaphore, #tpu.memory_space<semaphore_mem>>) {add = true}
      %dma_wait3A_155 = arith.constant 0 : i32
      %dma_wait3A_156 = arith.constant 0 : i32
      %dma_wait3A_157 = tpu.memref_slice %arg9[%run_scoped3A, %dma_wait3A_155, %dma_wait3A_156] : memref<4x128x72xf32, #tpu.memory_space<vmem>> -> memref<1x128x72xf32, #tpu.memory_space<vmem>>
      %dma_wait3A_158 = tpu.memref_squeeze %dma_wait3A_157 : memref<1x128x72xf32, #tpu.memory_space<vmem>> -> memref<128x72xf32, #tpu.memory_space<vmem>>
      %dma_wait3A_159 = arith.constant 0 : i32
      %dma_wait3A_160 = tpu.memref_slice %arg8[%run_scoped3A_88, %dma_wait3A_159] : memref<160x128xi32, #tpu.memory_space<vmem>> -> memref<1x128xi32, #tpu.memory_space<vmem>>
      %dma_wait3A_161 = tpu.memref_squeeze %dma_wait3A_160 : memref<1x128xi32, #tpu.memory_space<vmem>> -> memref<128xi32, #tpu.memory_space<vmem>>
      %dma_wait3A_162 = arith.constant 0 : i32
      %dma_wait3A_163 = arith.constant 0 : i32
      %dma_wait3A_164 = tpu.memref_slice %arg10[%dma_wait3A_162, %dma_wait3A_163] : memref<10000x72xf32, #tpu.memory_space<vmem_shared>> -> memref<10000x72xf32, #tpu.memory_space<vmem_shared>>
      tpu.wait_indirect_dma semaphore(%run_scoped3A_144 : memref<!tpu.dma_semaphore, #tpu.memory_space<semaphore_mem>>) src(%dma_wait3A_158 : memref<128x72xf32, #tpu.memory_space<vmem>>) dst(%dma_wait3A_164 : memref<10000x72xf32, #tpu.memory_space<vmem_shared>>)
      tpu.yield
    }) : () -> ()
    %dma_wait3A_89 = arith.constant 157 : i32
    %dma_wait3A_90 = arith.constant 1 : i32
    %dma_wait3A_91 = arith.constant 0 : i32
    %dma_wait3A_92 = arith.constant 0 : i32
    %dma_wait3A_93 = tpu.memref_slice %arg9[%dma_wait3A_90, %dma_wait3A_91, %dma_wait3A_92] : memref<4x128x72xf32, #tpu.memory_space<vmem>> -> memref<1x128x72xf32, #tpu.memory_space<vmem>>
    %dma_wait3A_94 = tpu.memref_squeeze %dma_wait3A_93 : memref<1x128x72xf32, #tpu.memory_space<vmem>> -> memref<128x72xf32, #tpu.memory_space<vmem>>
    %dma_wait3A_95 = arith.constant 0 : i32
    %dma_wait3A_96 = tpu.memref_slice %arg7[%dma_wait3A_89, %dma_wait3A_95] : memref<160x128xi32, #tpu.memory_space<vmem>> -> memref<1x128xi32, #tpu.memory_space<vmem>>
    %dma_wait3A_97 = tpu.memref_squeeze %dma_wait3A_96 : memref<1x128xi32, #tpu.memory_space<vmem>> -> memref<128xi32, #tpu.memory_space<vmem>>
    %dma_wait3A_98 = arith.constant 0 : i32
    %dma_wait3A_99 = arith.constant 0 : i32
    %dma_wait3A_100 = tpu.memref_slice %arg2[%arg0, %dma_wait3A_98, %dma_wait3A_99] : memref<2x10001x72xf32, #tpu.memory_space<hbm>> -> memref<1x10001x72xf32, #tpu.memory_space<hbm>>
    %dma_wait3A_101 = tpu.memref_squeeze %dma_wait3A_100 : memref<1x10001x72xf32, #tpu.memory_space<hbm>> -> memref<10001x72xf32, #tpu.memory_space<hbm>>
    %dma_wait3A_102 = arith.constant 0 : i32
    %dma_wait3A_103 = arith.constant 0 : i32
    %dma_wait3A_104 = tpu.memref_slice %dma_wait3A_101[%dma_wait3A_102, %dma_wait3A_103] : memref<10001x72xf32, #tpu.memory_space<hbm>> -> memref<10001x72xf32, #tpu.memory_space<hbm>>
    tpu.wait_indirect_dma semaphore(%arg12 : memref<!tpu.dma_semaphore, #tpu.memory_space<semaphore_mem>>) src(%dma_wait3A_104 : memref<10001x72xf32, #tpu.memory_space<hbm>>) dst(%dma_wait3A_94 : memref<128x72xf32, #tpu.memory_space<vmem>>)
    %run_scoped3A_105 = arith.constant 1 : i32
    %run_scoped3A_106 = arith.constant 157 : i32
    "tpu.region"() ({
      %run_scoped3A_144 = tpu.sem_alloc : memref<!tpu.dma_semaphore, #tpu.memory_space<semaphore_mem>>
      %dma_start3A_145 = arith.constant 0 : i32
      %dma_start3A_146 = arith.constant 0 : i32
      %dma_start3A_147 = tpu.memref_slice %arg9[%run_scoped3A_105, %dma_start3A_145, %dma_start3A_146] : memref<4x128x72xf32, #tpu.memory_space<vmem>> -> memref<1x128x72xf32, #tpu.memory_space<vmem>>
      %dma_start3A_148 = tpu.memref_squeeze %dma_start3A_147 : memref<1x128x72xf32, #tpu.memory_space<vmem>> -> memref<128x72xf32, #tpu.memory_space<vmem>>
      %dma_start3A_149 = arith.constant 0 : i32
      %dma_start3A_150 = tpu.memref_slice %arg8[%run_scoped3A_106, %dma_start3A_149] : memref<160x128xi32, #tpu.memory_space<vmem>> -> memref<1x128xi32, #tpu.memory_space<vmem>>
      %dma_start3A_151 = tpu.memref_squeeze %dma_start3A_150 : memref<1x128xi32, #tpu.memory_space<vmem>> -> memref<128xi32, #tpu.memory_space<vmem>>
      %dma_start3A_152 = arith.constant 0 : i32
      %dma_start3A_153 = arith.constant 0 : i32
      %dma_start3A_154 = tpu.memref_slice %arg10[%dma_start3A_152, %dma_start3A_153] : memref<10000x72xf32, #tpu.memory_space<vmem_shared>> -> memref<10000x72xf32, #tpu.memory_space<vmem_shared>>
      tpu.enqueue_indirect_dma source(%dma_start3A_148 : memref<128x72xf32, #tpu.memory_space<vmem>>) target(%dma_start3A_154 : memref<10000x72xf32, #tpu.memory_space<vmem_shared>>) offsets(%dma_start3A_151 : memref<128xi32, #tpu.memory_space<vmem>>) semaphore(%run_scoped3A_144 : memref<!tpu.dma_semaphore, #tpu.memory_space<semaphore_mem>>) {add = true}
      %dma_wait3A_155 = arith.constant 0 : i32
      %dma_wait3A_156 = arith.constant 0 : i32
      %dma_wait3A_157 = tpu.memref_slice %arg9[%run_scoped3A_105, %dma_wait3A_155, %dma_wait3A_156] : memref<4x128x72xf32, #tpu.memory_space<vmem>> -> memref<1x128x72xf32, #tpu.memory_space<vmem>>
      %dma_wait3A_158 = tpu.memref_squeeze %dma_wait3A_157 : memref<1x128x72xf32, #tpu.memory_space<vmem>> -> memref<128x72xf32, #tpu.memory_space<vmem>>
      %dma_wait3A_159 = arith.constant 0 : i32
      %dma_wait3A_160 = tpu.memref_slice %arg8[%run_scoped3A_106, %dma_wait3A_159] : memref<160x128xi32, #tpu.memory_space<vmem>> -> memref<1x128xi32, #tpu.memory_space<vmem>>
      %dma_wait3A_161 = tpu.memref_squeeze %dma_wait3A_160 : memref<1x128xi32, #tpu.memory_space<vmem>> -> memref<128xi32, #tpu.memory_space<vmem>>
      %dma_wait3A_162 = arith.constant 0 : i32
      %dma_wait3A_163 = arith.constant 0 : i32
      %dma_wait3A_164 = tpu.memref_slice %arg10[%dma_wait3A_162, %dma_wait3A_163] : memref<10000x72xf32, #tpu.memory_space<vmem_shared>> -> memref<10000x72xf32, #tpu.memory_space<vmem_shared>>
      tpu.wait_indirect_dma semaphore(%run_scoped3A_144 : memref<!tpu.dma_semaphore, #tpu.memory_space<semaphore_mem>>) src(%dma_wait3A_158 : memref<128x72xf32, #tpu.memory_space<vmem>>) dst(%dma_wait3A_164 : memref<10000x72xf32, #tpu.memory_space<vmem_shared>>)
      tpu.yield
    }) : () -> ()
    %dma_wait3A_107 = arith.constant 158 : i32
    %dma_wait3A_108 = arith.constant 2 : i32
    %dma_wait3A_109 = arith.constant 0 : i32
    %dma_wait3A_110 = arith.constant 0 : i32
    %dma_wait3A_111 = tpu.memref_slice %arg9[%dma_wait3A_108, %dma_wait3A_109, %dma_wait3A_110] : memref<4x128x72xf32, #tpu.memory_space<vmem>> -> memref<1x128x72xf32, #tpu.memory_space<vmem>>
    %dma_wait3A_112 = tpu.memref_squeeze %dma_wait3A_111 : memref<1x128x72xf32, #tpu.memory_space<vmem>> -> memref<128x72xf32, #tpu.memory_space<vmem>>
    %dma_wait3A_113 = arith.constant 0 : i32
    %dma_wait3A_114 = tpu.memref_slice %arg7[%dma_wait3A_107, %dma_wait3A_113] : memref<160x128xi32, #tpu.memory_space<vmem>> -> memref<1x128xi32, #tpu.memory_space<vmem>>
    %dma_wait3A_115 = tpu.memref_squeeze %dma_wait3A_114 : memref<1x128xi32, #tpu.memory_space<vmem>> -> memref<128xi32, #tpu.memory_space<vmem>>
    %dma_wait3A_116 = arith.constant 0 : i32
    %dma_wait3A_117 = arith.constant 0 : i32
    %dma_wait3A_118 = tpu.memref_slice %arg2[%arg0, %dma_wait3A_116, %dma_wait3A_117] : memref<2x10001x72xf32, #tpu.memory_space<hbm>> -> memref<1x10001x72xf32, #tpu.memory_space<hbm>>
    %dma_wait3A_119 = tpu.memref_squeeze %dma_wait3A_118 : memref<1x10001x72xf32, #tpu.memory_space<hbm>> -> memref<10001x72xf32, #tpu.memory_space<hbm>>
    %dma_wait3A_120 = arith.constant 0 : i32
    %dma_wait3A_121 = arith.constant 0 : i32
    %dma_wait3A_122 = tpu.memref_slice %dma_wait3A_119[%dma_wait3A_120, %dma_wait3A_121] : memref<10001x72xf32, #tpu.memory_space<hbm>> -> memref<10001x72xf32, #tpu.memory_space<hbm>>
    tpu.wait_indirect_dma semaphore(%arg13 : memref<!tpu.dma_semaphore, #tpu.memory_space<semaphore_mem>>) src(%dma_wait3A_122 : memref<10001x72xf32, #tpu.memory_space<hbm>>) dst(%dma_wait3A_112 : memref<128x72xf32, #tpu.memory_space<vmem>>)
    %run_scoped3A_123 = arith.constant 2 : i32
    %run_scoped3A_124 = arith.constant 158 : i32
    "tpu.region"() ({
      %run_scoped3A_144 = tpu.sem_alloc : memref<!tpu.dma_semaphore, #tpu.memory_space<semaphore_mem>>
      %dma_start3A_145 = arith.constant 0 : i32
      %dma_start3A_146 = arith.constant 0 : i32
      %dma_start3A_147 = tpu.memref_slice %arg9[%run_scoped3A_123, %dma_start3A_145, %dma_start3A_146] : memref<4x128x72xf32, #tpu.memory_space<vmem>> -> memref<1x128x72xf32, #tpu.memory_space<vmem>>
      %dma_start3A_148 = tpu.memref_squeeze %dma_start3A_147 : memref<1x128x72xf32, #tpu.memory_space<vmem>> -> memref<128x72xf32, #tpu.memory_space<vmem>>
      %dma_start3A_149 = arith.constant 0 : i32
      %dma_start3A_150 = tpu.memref_slice %arg8[%run_scoped3A_124, %dma_start3A_149] : memref<160x128xi32, #tpu.memory_space<vmem>> -> memref<1x128xi32, #tpu.memory_space<vmem>>
      %dma_start3A_151 = tpu.memref_squeeze %dma_start3A_150 : memref<1x128xi32, #tpu.memory_space<vmem>> -> memref<128xi32, #tpu.memory_space<vmem>>
      %dma_start3A_152 = arith.constant 0 : i32
      %dma_start3A_153 = arith.constant 0 : i32
      %dma_start3A_154 = tpu.memref_slice %arg10[%dma_start3A_152, %dma_start3A_153] : memref<10000x72xf32, #tpu.memory_space<vmem_shared>> -> memref<10000x72xf32, #tpu.memory_space<vmem_shared>>
      tpu.enqueue_indirect_dma source(%dma_start3A_148 : memref<128x72xf32, #tpu.memory_space<vmem>>) target(%dma_start3A_154 : memref<10000x72xf32, #tpu.memory_space<vmem_shared>>) offsets(%dma_start3A_151 : memref<128xi32, #tpu.memory_space<vmem>>) semaphore(%run_scoped3A_144 : memref<!tpu.dma_semaphore, #tpu.memory_space<semaphore_mem>>) {add = true}
      %dma_wait3A_155 = arith.constant 0 : i32
      %dma_wait3A_156 = arith.constant 0 : i32
      %dma_wait3A_157 = tpu.memref_slice %arg9[%run_scoped3A_123, %dma_wait3A_155, %dma_wait3A_156] : memref<4x128x72xf32, #tpu.memory_space<vmem>> -> memref<1x128x72xf32, #tpu.memory_space<vmem>>
      %dma_wait3A_158 = tpu.memref_squeeze %dma_wait3A_157 : memref<1x128x72xf32, #tpu.memory_space<vmem>> -> memref<128x72xf32, #tpu.memory_space<vmem>>
      %dma_wait3A_159 = arith.constant 0 : i32
      %dma_wait3A_160 = tpu.memref_slice %arg8[%run_scoped3A_124, %dma_wait3A_159] : memref<160x128xi32, #tpu.memory_space<vmem>> -> memref<1x128xi32, #tpu.memory_space<vmem>>
      %dma_wait3A_161 = tpu.memref_squeeze %dma_wait3A_160 : memref<1x128xi32, #tpu.memory_space<vmem>> -> memref<128xi32, #tpu.memory_space<vmem>>
      %dma_wait3A_162 = arith.constant 0 : i32
      %dma_wait3A_163 = arith.constant 0 : i32
      %dma_wait3A_164 = tpu.memref_slice %arg10[%dma_wait3A_162, %dma_wait3A_163] : memref<10000x72xf32, #tpu.memory_space<vmem_shared>> -> memref<10000x72xf32, #tpu.memory_space<vmem_shared>>
      tpu.wait_indirect_dma semaphore(%run_scoped3A_144 : memref<!tpu.dma_semaphore, #tpu.memory_space<semaphore_mem>>) src(%dma_wait3A_158 : memref<128x72xf32, #tpu.memory_space<vmem>>) dst(%dma_wait3A_164 : memref<10000x72xf32, #tpu.memory_space<vmem_shared>>)
      tpu.yield
    }) : () -> ()
    %dma_wait3A_125 = arith.constant 159 : i32
    %dma_wait3A_126 = arith.constant 3 : i32
    %dma_wait3A_127 = arith.constant 0 : i32
    %dma_wait3A_128 = arith.constant 0 : i32
    %dma_wait3A_129 = tpu.memref_slice %arg9[%dma_wait3A_126, %dma_wait3A_127, %dma_wait3A_128] : memref<4x128x72xf32, #tpu.memory_space<vmem>> -> memref<1x128x72xf32, #tpu.memory_space<vmem>>
    %dma_wait3A_130 = tpu.memref_squeeze %dma_wait3A_129 : memref<1x128x72xf32, #tpu.memory_space<vmem>> -> memref<128x72xf32, #tpu.memory_space<vmem>>
    %dma_wait3A_131 = arith.constant 0 : i32
    %dma_wait3A_132 = tpu.memref_slice %arg7[%dma_wait3A_125, %dma_wait3A_131] : memref<160x128xi32, #tpu.memory_space<vmem>> -> memref<1x128xi32, #tpu.memory_space<vmem>>
    %dma_wait3A_133 = tpu.memref_squeeze %dma_wait3A_132 : memref<1x128xi32, #tpu.memory_space<vmem>> -> memref<128xi32, #tpu.memory_space<vmem>>
    %dma_wait3A_134 = arith.constant 0 : i32
    %dma_wait3A_135 = arith.constant 0 : i32
    %dma_wait3A_136 = tpu.memref_slice %arg2[%arg0, %dma_wait3A_134, %dma_wait3A_135] : memref<2x10001x72xf32, #tpu.memory_space<hbm>> -> memref<1x10001x72xf32, #tpu.memory_space<hbm>>
    %dma_wait3A_137 = tpu.memref_squeeze %dma_wait3A_136 : memref<1x10001x72xf32, #tpu.memory_space<hbm>> -> memref<10001x72xf32, #tpu.memory_space<hbm>>
    %dma_wait3A_138 = arith.constant 0 : i32
    %dma_wait3A_139 = arith.constant 0 : i32
    %dma_wait3A_140 = tpu.memref_slice %dma_wait3A_137[%dma_wait3A_138, %dma_wait3A_139] : memref<10001x72xf32, #tpu.memory_space<hbm>> -> memref<10001x72xf32, #tpu.memory_space<hbm>>
    tpu.wait_indirect_dma semaphore(%arg14 : memref<!tpu.dma_semaphore, #tpu.memory_space<semaphore_mem>>) src(%dma_wait3A_140 : memref<10001x72xf32, #tpu.memory_space<hbm>>) dst(%dma_wait3A_130 : memref<128x72xf32, #tpu.memory_space<vmem>>)
    %run_scoped3A_141 = arith.constant 3 : i32
    %run_scoped3A_142 = arith.constant 159 : i32
    "tpu.region"() ({
      %run_scoped3A_144 = tpu.sem_alloc : memref<!tpu.dma_semaphore, #tpu.memory_space<semaphore_mem>>
      %dma_start3A_145 = arith.constant 0 : i32
      %dma_start3A_146 = arith.constant 0 : i32
      %dma_start3A_147 = tpu.memref_slice %arg9[%run_scoped3A_141, %dma_start3A_145, %dma_start3A_146] : memref<4x128x72xf32, #tpu.memory_space<vmem>> -> memref<1x128x72xf32, #tpu.memory_space<vmem>>
      %dma_start3A_148 = tpu.memref_squeeze %dma_start3A_147 : memref<1x128x72xf32, #tpu.memory_space<vmem>> -> memref<128x72xf32, #tpu.memory_space<vmem>>
      %dma_start3A_149 = arith.constant 0 : i32
      %dma_start3A_150 = tpu.memref_slice %arg8[%run_scoped3A_142, %dma_start3A_149] : memref<160x128xi32, #tpu.memory_space<vmem>> -> memref<1x128xi32, #tpu.memory_space<vmem>>
      %dma_start3A_151 = tpu.memref_squeeze %dma_start3A_150 : memref<1x128xi32, #tpu.memory_space<vmem>> -> memref<128xi32, #tpu.memory_space<vmem>>
      %dma_start3A_152 = arith.constant 0 : i32
      %dma_start3A_153 = arith.constant 0 : i32
      %dma_start3A_154 = tpu.memref_slice %arg10[%dma_start3A_152, %dma_start3A_153] : memref<10000x72xf32, #tpu.memory_space<vmem_shared>> -> memref<10000x72xf32, #tpu.memory_space<vmem_shared>>
      tpu.enqueue_indirect_dma source(%dma_start3A_148 : memref<128x72xf32, #tpu.memory_space<vmem>>) target(%dma_start3A_154 : memref<10000x72xf32, #tpu.memory_space<vmem_shared>>) offsets(%dma_start3A_151 : memref<128xi32, #tpu.memory_space<vmem>>) semaphore(%run_scoped3A_144 : memref<!tpu.dma_semaphore, #tpu.memory_space<semaphore_mem>>) {add = true}
      %dma_wait3A_155 = arith.constant 0 : i32
      %dma_wait3A_156 = arith.constant 0 : i32
      %dma_wait3A_157 = tpu.memref_slice %arg9[%run_scoped3A_141, %dma_wait3A_155, %dma_wait3A_156] : memref<4x128x72xf32, #tpu.memory_space<vmem>> -> memref<1x128x72xf32, #tpu.memory_space<vmem>>
      %dma_wait3A_158 = tpu.memref_squeeze %dma_wait3A_157 : memref<1x128x72xf32, #tpu.memory_space<vmem>> -> memref<128x72xf32, #tpu.memory_space<vmem>>
      %dma_wait3A_159 = arith.constant 0 : i32
      %dma_wait3A_160 = tpu.memref_slice %arg8[%run_scoped3A_142, %dma_wait3A_159] : memref<160x128xi32, #tpu.memory_space<vmem>> -> memref<1x128xi32, #tpu.memory_space<vmem>>
      %dma_wait3A_161 = tpu.memref_squeeze %dma_wait3A_160 : memref<1x128xi32, #tpu.memory_space<vmem>> -> memref<128xi32, #tpu.memory_space<vmem>>
      %dma_wait3A_162 = arith.constant 0 : i32
      %dma_wait3A_163 = arith.constant 0 : i32
      %dma_wait3A_164 = tpu.memref_slice %arg10[%dma_wait3A_162, %dma_wait3A_163] : memref<10000x72xf32, #tpu.memory_space<vmem_shared>> -> memref<10000x72xf32, #tpu.memory_space<vmem_shared>>
      tpu.wait_indirect_dma semaphore(%run_scoped3A_144 : memref<!tpu.dma_semaphore, #tpu.memory_space<semaphore_mem>>) src(%dma_wait3A_158 : memref<128x72xf32, #tpu.memory_space<vmem>>) dst(%dma_wait3A_164 : memref<10000x72xf32, #tpu.memory_space<vmem_shared>>)
      tpu.yield
    }) : () -> ()
    %barrier3A_143 = arith.constant 0 : index
    tpu.barrier barrier_id(%barrier3A_143)
    "tpu.region"() ({
      %run_scoped3A_144 = tpu.sem_alloc : memref<!tpu.dma_semaphore, #tpu.memory_space<semaphore_mem>>
      %dma_start3A_145 = arith.constant 0 : i32
      %dma_start3A_146 = tpu.memref_slice %arg6[%arg0, %mul3A_0, %dma_start3A_145] : memref<2x10000x72xf32, #tpu.memory_space<hbm>> -> memref<1x625x72xf32, #tpu.memory_space<hbm>>
      %dma_start3A_147 = tpu.memref_squeeze %dma_start3A_146 : memref<1x625x72xf32, #tpu.memory_space<hbm>> -> memref<625x72xf32, #tpu.memory_space<hbm>>
      %dma_start3A_148 = arith.constant 0 : i32
      %dma_start3A_149 = tpu.memref_slice %arg10[%mul3A_0, %dma_start3A_148] : memref<10000x72xf32, #tpu.memory_space<vmem_shared>> -> memref<625x72xf32, #tpu.memory_space<vmem_shared>>
      tpu.enqueue_dma source(%dma_start3A_149 : memref<625x72xf32, #tpu.memory_space<vmem_shared>>) target(%dma_start3A_147 : memref<625x72xf32, #tpu.memory_space<hbm>>) target_semaphore(%run_scoped3A_144 : memref<!tpu.dma_semaphore, #tpu.memory_space<semaphore_mem>>)
      %dma_wait3A_150 = arith.constant 0 : i32
      %dma_wait3A_151 = tpu.memref_slice %arg6[%arg0, %mul3A_0, %dma_wait3A_150] : memref<2x10000x72xf32, #tpu.memory_space<hbm>> -> memref<1x625x72xf32, #tpu.memory_space<hbm>>
      %dma_wait3A_152 = tpu.memref_squeeze %dma_wait3A_151 : memref<1x625x72xf32, #tpu.memory_space<hbm>> -> memref<625x72xf32, #tpu.memory_space<hbm>>
      %dma_wait3A_153 = arith.constant 0 : i32
      %dma_wait3A_154 = tpu.memref_slice %arg10[%mul3A_0, %dma_wait3A_153] : memref<10000x72xf32, #tpu.memory_space<vmem_shared>> -> memref<625x72xf32, #tpu.memory_space<vmem_shared>>
      tpu.wait_dma2 semaphore(%run_scoped3A_144 : memref<!tpu.dma_semaphore, #tpu.memory_space<semaphore_mem>>) src(%dma_wait3A_154 : memref<625x72xf32, #tpu.memory_space<vmem_shared>>) dst(%dma_wait3A_152 : memref<625x72xf32, #tpu.memory_space<hbm>>)
      tpu.yield
    }) : () -> ()
    return
  }
}

#map = affine_map<(d0, d1) -> (0, 0, 0)>
#map1 = affine_map<(d0, d1) -> (0, 0)>
module attributes {stable_mosaic.version = 14 : i64} {
  func.func @sc_agg(%arg0: i32, %arg1: i32, %arg2: memref<2x10001x72xf32, #tpu.memory_space<hbm>>, %arg3: memref<16x160x128xi32, #tpu.memory_space<hbm>>, %arg4: memref<16x160x128xi32, #tpu.memory_space<hbm>>, %arg5: memref<625x72xf32, #tpu.memory_space<hbm>>, %arg6: memref<2x10000x72xf32, #tpu.memory_space<hbm>>, %arg7: memref<160x128xi32, #tpu.memory_space<vmem>>, %arg8: memref<160x128xi32, #tpu.memory_space<vmem>>, %arg9: memref<4x128x72xf32, #tpu.memory_space<vmem>>, %arg10: memref<10000x72xf32, #tpu.memory_space<vmem_shared>>, %arg11: memref<!tpu.dma_semaphore, #tpu.memory_space<semaphore_mem>>, %arg12: memref<!tpu.dma_semaphore, #tpu.memory_space<semaphore_mem>>, %arg13: memref<!tpu.dma_semaphore, #tpu.memory_space<semaphore_mem>>, %arg14: memref<!tpu.dma_semaphore, #tpu.memory_space<semaphore_mem>>) attributes {dimension_semantics = [#tpu.dimension_semantics<core_parallel>, #tpu.dimension_semantics<subcore_parallel>], iteration_bounds = array<i64: 2, 16>, scalar_prefetch = 0 : i64, scratch_operands = 8 : i64, tpu.core_type = #tpu.core_type<sc_vector_subcore>, window_params = [{transform_indices = #map}, {transform_indices = #map}, {transform_indices = #map}, {transform_indices = #map1}, {transform_indices = #map}]} {
    %mul3A = arith.constant 625 : i32
    %mul3A_0 = arith.muli %arg1, %mul3A : i32
    "tpu.region"() ({
      %run_scoped3A_144 = tpu.sem_alloc : memref<!tpu.dma_semaphore, #tpu.memory_space<semaphore_mem>>
      %dma_start3A_145 = arith.constant 0 : i32
      %dma_start3A_146 = tpu.memref_slice %arg10[%mul3A_0, %dma_start3A_145] : memref<10000x72xf32, #tpu.memory_space<vmem_shared>> -> memref<625x72xf32, #tpu.memory_space<vmem_shared>>
      tpu.enqueue_dma source(%arg5 : memref<625x72xf32, #tpu.memory_space<hbm>>) target(%dma_start3A_146 : memref<625x72xf32, #tpu.memory_space<vmem_shared>>) target_semaphore(%run_scoped3A_144 : memref<!tpu.dma_semaphore, #tpu.memory_space<semaphore_mem>>)
      %dma_wait3A_147 = arith.constant 0 : i32
      %dma_wait3A_148 = tpu.memref_slice %arg10[%mul3A_0, %dma_wait3A_147] : memref<10000x72xf32, #tpu.memory_space<vmem_shared>> -> memref<625x72xf32, #tpu.memory_space<vmem_shared>>
      tpu.wait_dma2 semaphore(%run_scoped3A_144 : memref<!tpu.dma_semaphore, #tpu.memory_space<semaphore_mem>>) src(%arg5 : memref<625x72xf32, #tpu.memory_space<hbm>>) dst(%dma_wait3A_148 : memref<625x72xf32, #tpu.memory_space<vmem_shared>>)
      tpu.yield
    }) : () -> ()
    %barrier3A = arith.constant 0 : index
    tpu.barrier barrier_id(%barrier3A)
    "tpu.region"() ({
      %run_scoped3A_144 = tpu.sem_alloc : memref<!tpu.dma_semaphore, #tpu.memory_space<semaphore_mem>>
      %dma_start3A_145 = arith.constant 0 : i32
      %dma_start3A_146 = arith.constant 0 : i32
      %dma_start3A_147 = tpu.memref_slice %arg3[%arg1, %dma_start3A_145, %dma_start3A_146] : memref<16x160x128xi32, #tpu.memory_space<hbm>> -> memref<1x160x128xi32, #tpu.memory_space<hbm>>
      %dma_start3A_148 = tpu.memref_squeeze %dma_start3A_147 : memref<1x160x128xi32, #tpu.memory_space<hbm>> -> memref<160x128xi32, #tpu.memory_space<hbm>>
      %dma_start3A_149 = arith.constant 0 : i32
      %dma_start3A_150 = arith.constant 0 : i32
      %dma_start3A_151 = tpu.memref_slice %arg3[%arg1, %dma_start3A_149, %dma_start3A_150] : memref<16x160x128xi32, #tpu.memory_space<hbm>> -> memref<1x160x128xi32, #tpu.memory_space<hbm>>
      %dma_start3A_152 = tpu.memref_squeeze %dma_start3A_151 : memref<1x160x128xi32, #tpu.memory_space<hbm>> -> memref<160x128xi32, #tpu.memory_space<hbm>>
      tpu.enqueue_dma source(%dma_start3A_152 : memref<160x128xi32, #tpu.memory_space<hbm>>) target(%arg7 : memref<160x128xi32, #tpu.memory_space<vmem>>) target_semaphore(%run_scoped3A_144 : memref<!tpu.dma_semaphore, #tpu.memory_space<semaphore_mem>>)
      %dma_wait3A_153 = arith.constant 0 : i32
      %dma_wait3A_154 = arith.constant 0 : i32
      %dma_wait3A_155 = tpu.memref_slice %arg3[%arg1, %dma_wait3A_153, %dma_wait3A_154] : memref<16x160x128xi32, #tpu.memory_space<hbm>> -> memref<1x160x128xi32, #tpu.memory_space<hbm>>
      %dma_wait3A_156 = tpu.memref_squeeze %dma_wait3A_155 : memref<1x160x128xi32, #tpu.memory_space<hbm>> -> memref<160x128xi32, #tpu.memory_space<hbm>>
      %dma_wait3A_157 = arith.constant 0 : i32
      %dma_wait3A_158 = arith.constant 0 : i32
      %dma_wait3A_159 = tpu.memref_slice %arg3[%arg1, %dma_wait3A_157, %dma_wait3A_158] : memref<16x160x128xi32, #tpu.memory_space<hbm>> -> memref<1x160x128xi32, #tpu.memory_space<hbm>>
      %dma_wait3A_160 = tpu.memref_squeeze %dma_wait3A_159 : memref<1x160x128xi32, #tpu.memory_space<hbm>> -> memref<160x128xi32, #tpu.memory_space<hbm>>
      tpu.wait_dma2 semaphore(%run_scoped3A_144 : memref<!tpu.dma_semaphore, #tpu.memory_space<semaphore_mem>>) src(%dma_wait3A_160 : memref<160x128xi32, #tpu.memory_space<hbm>>) dst(%arg7 : memref<160x128xi32, #tpu.memory_space<vmem>>)
      tpu.yield
    }) : () -> ()
    "tpu.region"() ({
      %run_scoped3A_144 = tpu.sem_alloc : memref<!tpu.dma_semaphore, #tpu.memory_space<semaphore_mem>>
      %dma_start3A_145 = arith.constant 0 : i32
      %dma_start3A_146 = arith.constant 0 : i32
      %dma_start3A_147 = tpu.memref_slice %arg4[%arg1, %dma_start3A_145, %dma_start3A_146] : memref<16x160x128xi32, #tpu.memory_space<hbm>> -> memref<1x160x128xi32, #tpu.memory_space<hbm>>
      %dma_start3A_148 = tpu.memref_squeeze %dma_start3A_147 : memref<1x160x128xi32, #tpu.memory_space<hbm>> -> memref<160x128xi32, #tpu.memory_space<hbm>>
      %dma_start3A_149 = arith.constant 0 : i32
      %dma_start3A_150 = arith.constant 0 : i32
      %dma_start3A_151 = tpu.memref_slice %arg4[%arg1, %dma_start3A_149, %dma_start3A_150] : memref<16x160x128xi32, #tpu.memory_space<hbm>> -> memref<1x160x128xi32, #tpu.memory_space<hbm>>
      %dma_start3A_152 = tpu.memref_squeeze %dma_start3A_151 : memref<1x160x128xi32, #tpu.memory_space<hbm>> -> memref<160x128xi32, #tpu.memory_space<hbm>>
      tpu.enqueue_dma source(%dma_start3A_152 : memref<160x128xi32, #tpu.memory_space<hbm>>) target(%arg8 : memref<160x128xi32, #tpu.memory_space<vmem>>) target_semaphore(%run_scoped3A_144 : memref<!tpu.dma_semaphore, #tpu.memory_space<semaphore_mem>>)
      %dma_wait3A_153 = arith.constant 0 : i32
      %dma_wait3A_154 = arith.constant 0 : i32
      %dma_wait3A_155 = tpu.memref_slice %arg4[%arg1, %dma_wait3A_153, %dma_wait3A_154] : memref<16x160x128xi32, #tpu.memory_space<hbm>> -> memref<1x160x128xi32, #tpu.memory_space<hbm>>
      %dma_wait3A_156 = tpu.memref_squeeze %dma_wait3A_155 : memref<1x160x128xi32, #tpu.memory_space<hbm>> -> memref<160x128xi32, #tpu.memory_space<hbm>>
      %dma_wait3A_157 = arith.constant 0 : i32
      %dma_wait3A_158 = arith.constant 0 : i32
      %dma_wait3A_159 = tpu.memref_slice %arg4[%arg1, %dma_wait3A_157, %dma_wait3A_158] : memref<16x160x128xi32, #tpu.memory_space<hbm>> -> memref<1x160x128xi32, #tpu.memory_space<hbm>>
      %dma_wait3A_160 = tpu.memref_squeeze %dma_wait3A_159 : memref<1x160x128xi32, #tpu.memory_space<hbm>> -> memref<160x128xi32, #tpu.memory_space<hbm>>
      tpu.wait_dma2 semaphore(%run_scoped3A_144 : memref<!tpu.dma_semaphore, #tpu.memory_space<semaphore_mem>>) src(%dma_wait3A_160 : memref<160x128xi32, #tpu.memory_space<hbm>>) dst(%arg8 : memref<160x128xi32, #tpu.memory_space<vmem>>)
      tpu.yield
    }) : () -> ()
    %dma_start3A = arith.constant 0 : i32
    %dma_start3A_1 = arith.constant 0 : i32
    %dma_start3A_2 = arith.constant 0 : i32
    %dma_start3A_3 = arith.constant 0 : i32
    %dma_start3A_4 = tpu.memref_slice %arg9[%dma_start3A_1, %dma_start3A_2, %dma_start3A_3] : memref<4x128x72xf32, #tpu.memory_space<vmem>> -> memref<1x128x72xf32, #tpu.memory_space<vmem>>
    %dma_start3A_5 = tpu.memref_squeeze %dma_start3A_4 : memref<1x128x72xf32, #tpu.memory_space<vmem>> -> memref<128x72xf32, #tpu.memory_space<vmem>>
    %dma_start3A_6 = arith.constant 0 : i32
    %dma_start3A_7 = tpu.memref_slice %arg7[%dma_start3A, %dma_start3A_6] : memref<160x128xi32, #tpu.memory_space<vmem>> -> memref<1x128xi32, #tpu.memory_space<vmem>>
    %dma_start3A_8 = tpu.memref_squeeze %dma_start3A_7 : memref<1x128xi32, #tpu.memory_space<vmem>> -> memref<128xi32, #tpu.memory_space<vmem>>
    %dma_start3A_9 = arith.constant 0 : i32
    %dma_start3A_10 = arith.constant 0 : i32
    %dma_start3A_11 = tpu.memref_slice %arg2[%arg0, %dma_start3A_9, %dma_start3A_10] : memref<2x10001x72xf32, #tpu.memory_space<hbm>> -> memref<1x10001x72xf32, #tpu.memory_space<hbm>>
    %dma_start3A_12 = tpu.memref_squeeze %dma_start3A_11 : memref<1x10001x72xf32, #tpu.memory_space<hbm>> -> memref<10001x72xf32, #tpu.memory_space<hbm>>
    %dma_start3A_13 = arith.constant 0 : i32
    %dma_start3A_14 = arith.constant 0 : i32
    %dma_start3A_15 = tpu.memref_slice %dma_start3A_12[%dma_start3A_13, %dma_start3A_14] : memref<10001x72xf32, #tpu.memory_space<hbm>> -> memref<10001x72xf32, #tpu.memory_space<hbm>>
    tpu.enqueue_indirect_dma source(%dma_start3A_15 : memref<10001x72xf32, #tpu.memory_space<hbm>>) target(%dma_start3A_5 : memref<128x72xf32, #tpu.memory_space<vmem>>) offsets(%dma_start3A_8 : memref<128xi32, #tpu.memory_space<vmem>>) semaphore(%arg11 : memref<!tpu.dma_semaphore, #tpu.memory_space<semaphore_mem>>)
    %dma_start3A_16 = arith.constant 1 : i32
    %dma_start3A_17 = arith.constant 1 : i32
    %dma_start3A_18 = arith.constant 0 : i32
    %dma_start3A_19 = arith.constant 0 : i32
    %dma_start3A_20 = tpu.memref_slice %arg9[%dma_start3A_17, %dma_start3A_18, %dma_start3A_19] : memref<4x128x72xf32, #tpu.memory_space<vmem>> -> memref<1x128x72xf32, #tpu.memory_space<vmem>>
    %dma_start3A_21 = tpu.memref_squeeze %dma_start3A_20 : memref<1x128x72xf32, #tpu.memory_space<vmem>> -> memref<128x72xf32, #tpu.memory_space<vmem>>
    %dma_start3A_22 = arith.constant 0 : i32
    %dma_start3A_23 = tpu.memref_slice %arg7[%dma_start3A_16, %dma_start3A_22] : memref<160x128xi32, #tpu.memory_space<vmem>> -> memref<1x128xi32, #tpu.memory_space<vmem>>
    %dma_start3A_24 = tpu.memref_squeeze %dma_start3A_23 : memref<1x128xi32, #tpu.memory_space<vmem>> -> memref<128xi32, #tpu.memory_space<vmem>>
    %dma_start3A_25 = arith.constant 0 : i32
    %dma_start3A_26 = arith.constant 0 : i32
    %dma_start3A_27 = tpu.memref_slice %arg2[%arg0, %dma_start3A_25, %dma_start3A_26] : memref<2x10001x72xf32, #tpu.memory_space<hbm>> -> memref<1x10001x72xf32, #tpu.memory_space<hbm>>
    %dma_start3A_28 = tpu.memref_squeeze %dma_start3A_27 : memref<1x10001x72xf32, #tpu.memory_space<hbm>> -> memref<10001x72xf32, #tpu.memory_space<hbm>>
    %dma_start3A_29 = arith.constant 0 : i32
    %dma_start3A_30 = arith.constant 0 : i32
    %dma_start3A_31 = tpu.memref_slice %dma_start3A_28[%dma_start3A_29, %dma_start3A_30] : memref<10001x72xf32, #tpu.memory_space<hbm>> -> memref<10001x72xf32, #tpu.memory_space<hbm>>
    tpu.enqueue_indirect_dma source(%dma_start3A_31 : memref<10001x72xf32, #tpu.memory_space<hbm>>) target(%dma_start3A_21 : memref<128x72xf32, #tpu.memory_space<vmem>>) offsets(%dma_start3A_24 : memref<128xi32, #tpu.memory_space<vmem>>) semaphore(%arg12 : memref<!tpu.dma_semaphore, #tpu.memory_space<semaphore_mem>>)
    %dma_start3A_32 = arith.constant 2 : i32
    %dma_start3A_33 = arith.constant 2 : i32
    %dma_start3A_34 = arith.constant 0 : i32
    %dma_start3A_35 = arith.constant 0 : i32
    %dma_start3A_36 = tpu.memref_slice %arg9[%dma_start3A_33, %dma_start3A_34, %dma_start3A_35] : memref<4x128x72xf32, #tpu.memory_space<vmem>> -> memref<1x128x72xf32, #tpu.memory_space<vmem>>
    %dma_start3A_37 = tpu.memref_squeeze %dma_start3A_36 : memref<1x128x72xf32, #tpu.memory_space<vmem>> -> memref<128x72xf32, #tpu.memory_space<vmem>>
    %dma_start3A_38 = arith.constant 0 : i32
    %dma_start3A_39 = tpu.memref_slice %arg7[%dma_start3A_32, %dma_start3A_38] : memref<160x128xi32, #tpu.memory_space<vmem>> -> memref<1x128xi32, #tpu.memory_space<vmem>>
    %dma_start3A_40 = tpu.memref_squeeze %dma_start3A_39 : memref<1x128xi32, #tpu.memory_space<vmem>> -> memref<128xi32, #tpu.memory_space<vmem>>
    %dma_start3A_41 = arith.constant 0 : i32
    %dma_start3A_42 = arith.constant 0 : i32
    %dma_start3A_43 = tpu.memref_slice %arg2[%arg0, %dma_start3A_41, %dma_start3A_42] : memref<2x10001x72xf32, #tpu.memory_space<hbm>> -> memref<1x10001x72xf32, #tpu.memory_space<hbm>>
    %dma_start3A_44 = tpu.memref_squeeze %dma_start3A_43 : memref<1x10001x72xf32, #tpu.memory_space<hbm>> -> memref<10001x72xf32, #tpu.memory_space<hbm>>
    %dma_start3A_45 = arith.constant 0 : i32
    %dma_start3A_46 = arith.constant 0 : i32
    %dma_start3A_47 = tpu.memref_slice %dma_start3A_44[%dma_start3A_45, %dma_start3A_46] : memref<10001x72xf32, #tpu.memory_space<hbm>> -> memref<10001x72xf32, #tpu.memory_space<hbm>>
    tpu.enqueue_indirect_dma source(%dma_start3A_47 : memref<10001x72xf32, #tpu.memory_space<hbm>>) target(%dma_start3A_37 : memref<128x72xf32, #tpu.memory_space<vmem>>) offsets(%dma_start3A_40 : memref<128xi32, #tpu.memory_space<vmem>>) semaphore(%arg13 : memref<!tpu.dma_semaphore, #tpu.memory_space<semaphore_mem>>)
    %dma_start3A_48 = arith.constant 3 : i32
    %dma_start3A_49 = arith.constant 3 : i32
    %dma_start3A_50 = arith.constant 0 : i32
    %dma_start3A_51 = arith.constant 0 : i32
    %dma_start3A_52 = tpu.memref_slice %arg9[%dma_start3A_49, %dma_start3A_50, %dma_start3A_51] : memref<4x128x72xf32, #tpu.memory_space<vmem>> -> memref<1x128x72xf32, #tpu.memory_space<vmem>>
    %dma_start3A_53 = tpu.memref_squeeze %dma_start3A_52 : memref<1x128x72xf32, #tpu.memory_space<vmem>> -> memref<128x72xf32, #tpu.memory_space<vmem>>
    %dma_start3A_54 = arith.constant 0 : i32
    %dma_start3A_55 = tpu.memref_slice %arg7[%dma_start3A_48, %dma_start3A_54] : memref<160x128xi32, #tpu.memory_space<vmem>> -> memref<1x128xi32, #tpu.memory_space<vmem>>
    %dma_start3A_56 = tpu.memref_squeeze %dma_start3A_55 : memref<1x128xi32, #tpu.memory_space<vmem>> -> memref<128xi32, #tpu.memory_space<vmem>>
    %dma_start3A_57 = arith.constant 0 : i32
    %dma_start3A_58 = arith.constant 0 : i32
    %dma_start3A_59 = tpu.memref_slice %arg2[%arg0, %dma_start3A_57, %dma_start3A_58] : memref<2x10001x72xf32, #tpu.memory_space<hbm>> -> memref<1x10001x72xf32, #tpu.memory_space<hbm>>
    %dma_start3A_60 = tpu.memref_squeeze %dma_start3A_59 : memref<1x10001x72xf32, #tpu.memory_space<hbm>> -> memref<10001x72xf32, #tpu.memory_space<hbm>>
    %dma_start3A_61 = arith.constant 0 : i32
    %dma_start3A_62 = arith.constant 0 : i32
    %dma_start3A_63 = tpu.memref_slice %dma_start3A_60[%dma_start3A_61, %dma_start3A_62] : memref<10001x72xf32, #tpu.memory_space<hbm>> -> memref<10001x72xf32, #tpu.memory_space<hbm>>
    tpu.enqueue_indirect_dma source(%dma_start3A_63 : memref<10001x72xf32, #tpu.memory_space<hbm>>) target(%dma_start3A_53 : memref<128x72xf32, #tpu.memory_space<vmem>>) offsets(%dma_start3A_56 : memref<128xi32, #tpu.memory_space<vmem>>) semaphore(%arg14 : memref<!tpu.dma_semaphore, #tpu.memory_space<semaphore_mem>>)
    %scan3A = arith.constant 0 : i32
    %scan3A_64 = arith.constant 0 : i32
    %scan3A_65 = arith.constant 1 : i32
    %scan3A_66 = arith.constant 2 : i32
    %scan3A_67 = arith.constant 3 : i32
    %scan3A_68 = arith.constant 0 : i32
    %scan3A_69 = arith.constant 39 : i32
    %scan3A_70 = arith.addi %scan3A_68, %scan3A_69 : i32
    %scan3A_71 = arith.constant 1 : i32
    scf.for %scan3A_144 = %scan3A_68 to %scan3A_70 step %scan3A_71  : i32 {
      %mul3A_145 = arith.constant 4 : i32
      %mul3A_146 = arith.muli %scan3A_144, %mul3A_145 : i32
      %add3A = arith.constant 0 : i32
      %add3A_147 = arith.addi %mul3A_146, %add3A : i32
      %dma_wait3A_148 = arith.constant 0 : i32
      %dma_wait3A_149 = arith.constant 0 : i32
      %dma_wait3A_150 = tpu.memref_slice %arg9[%scan3A_64, %dma_wait3A_148, %dma_wait3A_149] : memref<4x128x72xf32, #tpu.memory_space<vmem>> -> memref<1x128x72xf32, #tpu.memory_space<vmem>>
      %dma_wait3A_151 = tpu.memref_squeeze %dma_wait3A_150 : memref<1x128x72xf32, #tpu.memory_space<vmem>> -> memref<128x72xf32, #tpu.memory_space<vmem>>
      %dma_wait3A_152 = arith.constant 0 : i32
      %dma_wait3A_153 = tpu.memref_slice %arg7[%add3A_147, %dma_wait3A_152] : memref<160x128xi32, #tpu.memory_space<vmem>> -> memref<1x128xi32, #tpu.memory_space<vmem>>
      %dma_wait3A_154 = tpu.memref_squeeze %dma_wait3A_153 : memref<1x128xi32, #tpu.memory_space<vmem>> -> memref<128xi32, #tpu.memory_space<vmem>>
      %dma_wait3A_155 = arith.constant 0 : i32
      %dma_wait3A_156 = arith.constant 0 : i32
      %dma_wait3A_157 = tpu.memref_slice %arg2[%arg0, %dma_wait3A_155, %dma_wait3A_156] : memref<2x10001x72xf32, #tpu.memory_space<hbm>> -> memref<1x10001x72xf32, #tpu.memory_space<hbm>>
      %dma_wait3A_158 = tpu.memref_squeeze %dma_wait3A_157 : memref<1x10001x72xf32, #tpu.memory_space<hbm>> -> memref<10001x72xf32, #tpu.memory_space<hbm>>
      %dma_wait3A_159 = arith.constant 0 : i32
      %dma_wait3A_160 = arith.constant 0 : i32
      %dma_wait3A_161 = tpu.memref_slice %dma_wait3A_158[%dma_wait3A_159, %dma_wait3A_160] : memref<10001x72xf32, #tpu.memory_space<hbm>> -> memref<10001x72xf32, #tpu.memory_space<hbm>>
      tpu.wait_indirect_dma semaphore(%arg11 : memref<!tpu.dma_semaphore, #tpu.memory_space<semaphore_mem>>) src(%dma_wait3A_161 : memref<10001x72xf32, #tpu.memory_space<hbm>>) dst(%dma_wait3A_151 : memref<128x72xf32, #tpu.memory_space<vmem>>)
      %add3A_162 = arith.constant 0 : i32
      %add3A_163 = arith.addi %mul3A_146, %add3A_162 : i32
      "tpu.region"() ({
        %run_scoped3A_290 = tpu.sem_alloc : memref<!tpu.dma_semaphore, #tpu.memory_space<semaphore_mem>>
        %dma_start3A_291 = arith.constant 0 : i32
        %dma_start3A_292 = arith.constant 0 : i32
        %dma_start3A_293 = tpu.memref_slice %arg9[%scan3A_64, %dma_start3A_291, %dma_start3A_292] : memref<4x128x72xf32, #tpu.memory_space<vmem>> -> memref<1x128x72xf32, #tpu.memory_space<vmem>>
        %dma_start3A_294 = tpu.memref_squeeze %dma_start3A_293 : memref<1x128x72xf32, #tpu.memory_space<vmem>> -> memref<128x72xf32, #tpu.memory_space<vmem>>
        %dma_start3A_295 = arith.constant 0 : i32
        %dma_start3A_296 = tpu.memref_slice %arg8[%add3A_163, %dma_start3A_295] : memref<160x128xi32, #tpu.memory_space<vmem>> -> memref<1x128xi32, #tpu.memory_space<vmem>>
        %dma_start3A_297 = tpu.memref_squeeze %dma_start3A_296 : memref<1x128xi32, #tpu.memory_space<vmem>> -> memref<128xi32, #tpu.memory_space<vmem>>
        %dma_start3A_298 = arith.constant 0 : i32
        %dma_start3A_299 = arith.constant 0 : i32
        %dma_start3A_300 = tpu.memref_slice %arg10[%dma_start3A_298, %dma_start3A_299] : memref<10000x72xf32, #tpu.memory_space<vmem_shared>> -> memref<10000x72xf32, #tpu.memory_space<vmem_shared>>
        tpu.enqueue_indirect_dma source(%dma_start3A_294 : memref<128x72xf32, #tpu.memory_space<vmem>>) target(%dma_start3A_300 : memref<10000x72xf32, #tpu.memory_space<vmem_shared>>) offsets(%dma_start3A_297 : memref<128xi32, #tpu.memory_space<vmem>>) semaphore(%run_scoped3A_290 : memref<!tpu.dma_semaphore, #tpu.memory_space<semaphore_mem>>) {add = true}
        %dma_wait3A_301 = arith.constant 0 : i32
        %dma_wait3A_302 = arith.constant 0 : i32
        %dma_wait3A_303 = tpu.memref_slice %arg9[%scan3A_64, %dma_wait3A_301, %dma_wait3A_302] : memref<4x128x72xf32, #tpu.memory_space<vmem>> -> memref<1x128x72xf32, #tpu.memory_space<vmem>>
        %dma_wait3A_304 = tpu.memref_squeeze %dma_wait3A_303 : memref<1x128x72xf32, #tpu.memory_space<vmem>> -> memref<128x72xf32, #tpu.memory_space<vmem>>
        %dma_wait3A_305 = arith.constant 0 : i32
        %dma_wait3A_306 = tpu.memref_slice %arg8[%add3A_163, %dma_wait3A_305] : memref<160x128xi32, #tpu.memory_space<vmem>> -> memref<1x128xi32, #tpu.memory_space<vmem>>
        %dma_wait3A_307 = tpu.memref_squeeze %dma_wait3A_306 : memref<1x128xi32, #tpu.memory_space<vmem>> -> memref<128xi32, #tpu.memory_space<vmem>>
        %dma_wait3A_308 = arith.constant 0 : i32
        %dma_wait3A_309 = arith.constant 0 : i32
        %dma_wait3A_310 = tpu.memref_slice %arg10[%dma_wait3A_308, %dma_wait3A_309] : memref<10000x72xf32, #tpu.memory_space<vmem_shared>> -> memref<10000x72xf32, #tpu.memory_space<vmem_shared>>
        tpu.wait_indirect_dma semaphore(%run_scoped3A_290 : memref<!tpu.dma_semaphore, #tpu.memory_space<semaphore_mem>>) src(%dma_wait3A_304 : memref<128x72xf32, #tpu.memory_space<vmem>>) dst(%dma_wait3A_310 : memref<10000x72xf32, #tpu.memory_space<vmem_shared>>)
        tpu.yield
      }) : () -> ()
      %add3A_164 = arith.constant 4 : i32
      %add3A_165 = arith.addi %mul3A_146, %add3A_164 : i32
      %add3A_166 = arith.constant 0 : i32
      %add3A_167 = arith.addi %add3A_165, %add3A_166 : i32
      %dma_start3A_168 = arith.constant 0 : i32
      %dma_start3A_169 = arith.constant 0 : i32
      %dma_start3A_170 = tpu.memref_slice %arg9[%scan3A_64, %dma_start3A_168, %dma_start3A_169] : memref<4x128x72xf32, #tpu.memory_space<vmem>> -> memref<1x128x72xf32, #tpu.memory_space<vmem>>
      %dma_start3A_171 = tpu.memref_squeeze %dma_start3A_170 : memref<1x128x72xf32, #tpu.memory_space<vmem>> -> memref<128x72xf32, #tpu.memory_space<vmem>>
      %dma_start3A_172 = arith.constant 0 : i32
      %dma_start3A_173 = tpu.memref_slice %arg7[%add3A_167, %dma_start3A_172] : memref<160x128xi32, #tpu.memory_space<vmem>> -> memref<1x128xi32, #tpu.memory_space<vmem>>
      %dma_start3A_174 = tpu.memref_squeeze %dma_start3A_173 : memref<1x128xi32, #tpu.memory_space<vmem>> -> memref<128xi32, #tpu.memory_space<vmem>>
      %dma_start3A_175 = arith.constant 0 : i32
      %dma_start3A_176 = arith.constant 0 : i32
      %dma_start3A_177 = tpu.memref_slice %arg2[%arg0, %dma_start3A_175, %dma_start3A_176] : memref<2x10001x72xf32, #tpu.memory_space<hbm>> -> memref<1x10001x72xf32, #tpu.memory_space<hbm>>
      %dma_start3A_178 = tpu.memref_squeeze %dma_start3A_177 : memref<1x10001x72xf32, #tpu.memory_space<hbm>> -> memref<10001x72xf32, #tpu.memory_space<hbm>>
      %dma_start3A_179 = arith.constant 0 : i32
      %dma_start3A_180 = arith.constant 0 : i32
      %dma_start3A_181 = tpu.memref_slice %dma_start3A_178[%dma_start3A_179, %dma_start3A_180] : memref<10001x72xf32, #tpu.memory_space<hbm>> -> memref<10001x72xf32, #tpu.memory_space<hbm>>
      tpu.enqueue_indirect_dma source(%dma_start3A_181 : memref<10001x72xf32, #tpu.memory_space<hbm>>) target(%dma_start3A_171 : memref<128x72xf32, #tpu.memory_space<vmem>>) offsets(%dma_start3A_174 : memref<128xi32, #tpu.memory_space<vmem>>) semaphore(%arg11 : memref<!tpu.dma_semaphore, #tpu.memory_space<semaphore_mem>>)
      %add3A_182 = arith.constant 1 : i32
      %add3A_183 = arith.addi %mul3A_146, %add3A_182 : i32
      %dma_wait3A_184 = arith.constant 0 : i32
      %dma_wait3A_185 = arith.constant 0 : i32
      %dma_wait3A_186 = tpu.memref_slice %arg9[%scan3A_65, %dma_wait3A_184, %dma_wait3A_185] : memref<4x128x72xf32, #tpu.memory_space<vmem>> -> memref<1x128x72xf32, #tpu.memory_space<vmem>>
      %dma_wait3A_187 = tpu.memref_squeeze %dma_wait3A_186 : memref<1x128x72xf32, #tpu.memory_space<vmem>> -> memref<128x72xf32, #tpu.memory_space<vmem>>
      %dma_wait3A_188 = arith.constant 0 : i32
      %dma_wait3A_189 = tpu.memref_slice %arg7[%add3A_183, %dma_wait3A_188] : memref<160x128xi32, #tpu.memory_space<vmem>> -> memref<1x128xi32, #tpu.memory_space<vmem>>
      %dma_wait3A_190 = tpu.memref_squeeze %dma_wait3A_189 : memref<1x128xi32, #tpu.memory_space<vmem>> -> memref<128xi32, #tpu.memory_space<vmem>>
      %dma_wait3A_191 = arith.constant 0 : i32
      %dma_wait3A_192 = arith.constant 0 : i32
      %dma_wait3A_193 = tpu.memref_slice %arg2[%arg0, %dma_wait3A_191, %dma_wait3A_192] : memref<2x10001x72xf32, #tpu.memory_space<hbm>> -> memref<1x10001x72xf32, #tpu.memory_space<hbm>>
      %dma_wait3A_194 = tpu.memref_squeeze %dma_wait3A_193 : memref<1x10001x72xf32, #tpu.memory_space<hbm>> -> memref<10001x72xf32, #tpu.memory_space<hbm>>
      %dma_wait3A_195 = arith.constant 0 : i32
      %dma_wait3A_196 = arith.constant 0 : i32
      %dma_wait3A_197 = tpu.memref_slice %dma_wait3A_194[%dma_wait3A_195, %dma_wait3A_196] : memref<10001x72xf32, #tpu.memory_space<hbm>> -> memref<10001x72xf32, #tpu.memory_space<hbm>>
      tpu.wait_indirect_dma semaphore(%arg12 : memref<!tpu.dma_semaphore, #tpu.memory_space<semaphore_mem>>) src(%dma_wait3A_197 : memref<10001x72xf32, #tpu.memory_space<hbm>>) dst(%dma_wait3A_187 : memref<128x72xf32, #tpu.memory_space<vmem>>)
      %add3A_198 = arith.constant 1 : i32
      %add3A_199 = arith.addi %mul3A_146, %add3A_198 : i32
      "tpu.region"() ({
        %run_scoped3A_290 = tpu.sem_alloc : memref<!tpu.dma_semaphore, #tpu.memory_space<semaphore_mem>>
        %dma_start3A_291 = arith.constant 0 : i32
        %dma_start3A_292 = arith.constant 0 : i32
        %dma_start3A_293 = tpu.memref_slice %arg9[%scan3A_65, %dma_start3A_291, %dma_start3A_292] : memref<4x128x72xf32, #tpu.memory_space<vmem>> -> memref<1x128x72xf32, #tpu.memory_space<vmem>>
        %dma_start3A_294 = tpu.memref_squeeze %dma_start3A_293 : memref<1x128x72xf32, #tpu.memory_space<vmem>> -> memref<128x72xf32, #tpu.memory_space<vmem>>
        %dma_start3A_295 = arith.constant 0 : i32
        %dma_start3A_296 = tpu.memref_slice %arg8[%add3A_199, %dma_start3A_295] : memref<160x128xi32, #tpu.memory_space<vmem>> -> memref<1x128xi32, #tpu.memory_space<vmem>>
        %dma_start3A_297 = tpu.memref_squeeze %dma_start3A_296 : memref<1x128xi32, #tpu.memory_space<vmem>> -> memref<128xi32, #tpu.memory_space<vmem>>
        %dma_start3A_298 = arith.constant 0 : i32
        %dma_start3A_299 = arith.constant 0 : i32
        %dma_start3A_300 = tpu.memref_slice %arg10[%dma_start3A_298, %dma_start3A_299] : memref<10000x72xf32, #tpu.memory_space<vmem_shared>> -> memref<10000x72xf32, #tpu.memory_space<vmem_shared>>
        tpu.enqueue_indirect_dma source(%dma_start3A_294 : memref<128x72xf32, #tpu.memory_space<vmem>>) target(%dma_start3A_300 : memref<10000x72xf32, #tpu.memory_space<vmem_shared>>) offsets(%dma_start3A_297 : memref<128xi32, #tpu.memory_space<vmem>>) semaphore(%run_scoped3A_290 : memref<!tpu.dma_semaphore, #tpu.memory_space<semaphore_mem>>) {add = true}
        %dma_wait3A_301 = arith.constant 0 : i32
        %dma_wait3A_302 = arith.constant 0 : i32
        %dma_wait3A_303 = tpu.memref_slice %arg9[%scan3A_65, %dma_wait3A_301, %dma_wait3A_302] : memref<4x128x72xf32, #tpu.memory_space<vmem>> -> memref<1x128x72xf32, #tpu.memory_space<vmem>>
        %dma_wait3A_304 = tpu.memref_squeeze %dma_wait3A_303 : memref<1x128x72xf32, #tpu.memory_space<vmem>> -> memref<128x72xf32, #tpu.memory_space<vmem>>
        %dma_wait3A_305 = arith.constant 0 : i32
        %dma_wait3A_306 = tpu.memref_slice %arg8[%add3A_199, %dma_wait3A_305] : memref<160x128xi32, #tpu.memory_space<vmem>> -> memref<1x128xi32, #tpu.memory_space<vmem>>
        %dma_wait3A_307 = tpu.memref_squeeze %dma_wait3A_306 : memref<1x128xi32, #tpu.memory_space<vmem>> -> memref<128xi32, #tpu.memory_space<vmem>>
        %dma_wait3A_308 = arith.constant 0 : i32
        %dma_wait3A_309 = arith.constant 0 : i32
        %dma_wait3A_310 = tpu.memref_slice %arg10[%dma_wait3A_308, %dma_wait3A_309] : memref<10000x72xf32, #tpu.memory_space<vmem_shared>> -> memref<10000x72xf32, #tpu.memory_space<vmem_shared>>
        tpu.wait_indirect_dma semaphore(%run_scoped3A_290 : memref<!tpu.dma_semaphore, #tpu.memory_space<semaphore_mem>>) src(%dma_wait3A_304 : memref<128x72xf32, #tpu.memory_space<vmem>>) dst(%dma_wait3A_310 : memref<10000x72xf32, #tpu.memory_space<vmem_shared>>)
        tpu.yield
      }) : () -> ()
      %add3A_200 = arith.constant 4 : i32
      %add3A_201 = arith.addi %mul3A_146, %add3A_200 : i32
      %add3A_202 = arith.constant 1 : i32
      %add3A_203 = arith.addi %add3A_201, %add3A_202 : i32
      %dma_start3A_204 = arith.constant 0 : i32
      %dma_start3A_205 = arith.constant 0 : i32
      %dma_start3A_206 = tpu.memref_slice %arg9[%scan3A_65, %dma_start3A_204, %dma_start3A_205] : memref<4x128x72xf32, #tpu.memory_space<vmem>> -> memref<1x128x72xf32, #tpu.memory_space<vmem>>
      %dma_start3A_207 = tpu.memref_squeeze %dma_start3A_206 : memref<1x128x72xf32, #tpu.memory_space<vmem>> -> memref<128x72xf32, #tpu.memory_space<vmem>>
      %dma_start3A_208 = arith.constant 0 : i32
      %dma_start3A_209 = tpu.memref_slice %arg7[%add3A_203, %dma_start3A_208] : memref<160x128xi32, #tpu.memory_space<vmem>> -> memref<1x128xi32, #tpu.memory_space<vmem>>
      %dma_start3A_210 = tpu.memref_squeeze %dma_start3A_209 : memref<1x128xi32, #tpu.memory_space<vmem>> -> memref<128xi32, #tpu.memory_space<vmem>>
      %dma_start3A_211 = arith.constant 0 : i32
      %dma_start3A_212 = arith.constant 0 : i32
      %dma_start3A_213 = tpu.memref_slice %arg2[%arg0, %dma_start3A_211, %dma_start3A_212] : memref<2x10001x72xf32, #tpu.memory_space<hbm>> -> memref<1x10001x72xf32, #tpu.memory_space<hbm>>
      %dma_start3A_214 = tpu.memref_squeeze %dma_start3A_213 : memref<1x10001x72xf32, #tpu.memory_space<hbm>> -> memref<10001x72xf32, #tpu.memory_space<hbm>>
      %dma_start3A_215 = arith.constant 0 : i32
      %dma_start3A_216 = arith.constant 0 : i32
      %dma_start3A_217 = tpu.memref_slice %dma_start3A_214[%dma_start3A_215, %dma_start3A_216] : memref<10001x72xf32, #tpu.memory_space<hbm>> -> memref<10001x72xf32, #tpu.memory_space<hbm>>
      tpu.enqueue_indirect_dma source(%dma_start3A_217 : memref<10001x72xf32, #tpu.memory_space<hbm>>) target(%dma_start3A_207 : memref<128x72xf32, #tpu.memory_space<vmem>>) offsets(%dma_start3A_210 : memref<128xi32, #tpu.memory_space<vmem>>) semaphore(%arg12 : memref<!tpu.dma_semaphore, #tpu.memory_space<semaphore_mem>>)
      %add3A_218 = arith.constant 2 : i32
      %add3A_219 = arith.addi %mul3A_146, %add3A_218 : i32
      %dma_wait3A_220 = arith.constant 0 : i32
      %dma_wait3A_221 = arith.constant 0 : i32
      %dma_wait3A_222 = tpu.memref_slice %arg9[%scan3A_66, %dma_wait3A_220, %dma_wait3A_221] : memref<4x128x72xf32, #tpu.memory_space<vmem>> -> memref<1x128x72xf32, #tpu.memory_space<vmem>>
      %dma_wait3A_223 = tpu.memref_squeeze %dma_wait3A_222 : memref<1x128x72xf32, #tpu.memory_space<vmem>> -> memref<128x72xf32, #tpu.memory_space<vmem>>
      %dma_wait3A_224 = arith.constant 0 : i32
      %dma_wait3A_225 = tpu.memref_slice %arg7[%add3A_219, %dma_wait3A_224] : memref<160x128xi32, #tpu.memory_space<vmem>> -> memref<1x128xi32, #tpu.memory_space<vmem>>
      %dma_wait3A_226 = tpu.memref_squeeze %dma_wait3A_225 : memref<1x128xi32, #tpu.memory_space<vmem>> -> memref<128xi32, #tpu.memory_space<vmem>>
      %dma_wait3A_227 = arith.constant 0 : i32
      %dma_wait3A_228 = arith.constant 0 : i32
      %dma_wait3A_229 = tpu.memref_slice %arg2[%arg0, %dma_wait3A_227, %dma_wait3A_228] : memref<2x10001x72xf32, #tpu.memory_space<hbm>> -> memref<1x10001x72xf32, #tpu.memory_space<hbm>>
      %dma_wait3A_230 = tpu.memref_squeeze %dma_wait3A_229 : memref<1x10001x72xf32, #tpu.memory_space<hbm>> -> memref<10001x72xf32, #tpu.memory_space<hbm>>
      %dma_wait3A_231 = arith.constant 0 : i32
      %dma_wait3A_232 = arith.constant 0 : i32
      %dma_wait3A_233 = tpu.memref_slice %dma_wait3A_230[%dma_wait3A_231, %dma_wait3A_232] : memref<10001x72xf32, #tpu.memory_space<hbm>> -> memref<10001x72xf32, #tpu.memory_space<hbm>>
      tpu.wait_indirect_dma semaphore(%arg13 : memref<!tpu.dma_semaphore, #tpu.memory_space<semaphore_mem>>) src(%dma_wait3A_233 : memref<10001x72xf32, #tpu.memory_space<hbm>>) dst(%dma_wait3A_223 : memref<128x72xf32, #tpu.memory_space<vmem>>)
      %add3A_234 = arith.constant 2 : i32
      %add3A_235 = arith.addi %mul3A_146, %add3A_234 : i32
      "tpu.region"() ({
        %run_scoped3A_290 = tpu.sem_alloc : memref<!tpu.dma_semaphore, #tpu.memory_space<semaphore_mem>>
        %dma_start3A_291 = arith.constant 0 : i32
        %dma_start3A_292 = arith.constant 0 : i32
        %dma_start3A_293 = tpu.memref_slice %arg9[%scan3A_66, %dma_start3A_291, %dma_start3A_292] : memref<4x128x72xf32, #tpu.memory_space<vmem>> -> memref<1x128x72xf32, #tpu.memory_space<vmem>>
        %dma_start3A_294 = tpu.memref_squeeze %dma_start3A_293 : memref<1x128x72xf32, #tpu.memory_space<vmem>> -> memref<128x72xf32, #tpu.memory_space<vmem>>
        %dma_start3A_295 = arith.constant 0 : i32
        %dma_start3A_296 = tpu.memref_slice %arg8[%add3A_235, %dma_start3A_295] : memref<160x128xi32, #tpu.memory_space<vmem>> -> memref<1x128xi32, #tpu.memory_space<vmem>>
        %dma_start3A_297 = tpu.memref_squeeze %dma_start3A_296 : memref<1x128xi32, #tpu.memory_space<vmem>> -> memref<128xi32, #tpu.memory_space<vmem>>
        %dma_start3A_298 = arith.constant 0 : i32
        %dma_start3A_299 = arith.constant 0 : i32
        %dma_start3A_300 = tpu.memref_slice %arg10[%dma_start3A_298, %dma_start3A_299] : memref<10000x72xf32, #tpu.memory_space<vmem_shared>> -> memref<10000x72xf32, #tpu.memory_space<vmem_shared>>
        tpu.enqueue_indirect_dma source(%dma_start3A_294 : memref<128x72xf32, #tpu.memory_space<vmem>>) target(%dma_start3A_300 : memref<10000x72xf32, #tpu.memory_space<vmem_shared>>) offsets(%dma_start3A_297 : memref<128xi32, #tpu.memory_space<vmem>>) semaphore(%run_scoped3A_290 : memref<!tpu.dma_semaphore, #tpu.memory_space<semaphore_mem>>) {add = true}
        %dma_wait3A_301 = arith.constant 0 : i32
        %dma_wait3A_302 = arith.constant 0 : i32
        %dma_wait3A_303 = tpu.memref_slice %arg9[%scan3A_66, %dma_wait3A_301, %dma_wait3A_302] : memref<4x128x72xf32, #tpu.memory_space<vmem>> -> memref<1x128x72xf32, #tpu.memory_space<vmem>>
        %dma_wait3A_304 = tpu.memref_squeeze %dma_wait3A_303 : memref<1x128x72xf32, #tpu.memory_space<vmem>> -> memref<128x72xf32, #tpu.memory_space<vmem>>
        %dma_wait3A_305 = arith.constant 0 : i32
        %dma_wait3A_306 = tpu.memref_slice %arg8[%add3A_235, %dma_wait3A_305] : memref<160x128xi32, #tpu.memory_space<vmem>> -> memref<1x128xi32, #tpu.memory_space<vmem>>
        %dma_wait3A_307 = tpu.memref_squeeze %dma_wait3A_306 : memref<1x128xi32, #tpu.memory_space<vmem>> -> memref<128xi32, #tpu.memory_space<vmem>>
        %dma_wait3A_308 = arith.constant 0 : i32
        %dma_wait3A_309 = arith.constant 0 : i32
        %dma_wait3A_310 = tpu.memref_slice %arg10[%dma_wait3A_308, %dma_wait3A_309] : memref<10000x72xf32, #tpu.memory_space<vmem_shared>> -> memref<10000x72xf32, #tpu.memory_space<vmem_shared>>
        tpu.wait_indirect_dma semaphore(%run_scoped3A_290 : memref<!tpu.dma_semaphore, #tpu.memory_space<semaphore_mem>>) src(%dma_wait3A_304 : memref<128x72xf32, #tpu.memory_space<vmem>>) dst(%dma_wait3A_310 : memref<10000x72xf32, #tpu.memory_space<vmem_shared>>)
        tpu.yield
      }) : () -> ()
      %add3A_236 = arith.constant 4 : i32
      %add3A_237 = arith.addi %mul3A_146, %add3A_236 : i32
      %add3A_238 = arith.constant 2 : i32
      %add3A_239 = arith.addi %add3A_237, %add3A_238 : i32
      %dma_start3A_240 = arith.constant 0 : i32
      %dma_start3A_241 = arith.constant 0 : i32
      %dma_start3A_242 = tpu.memref_slice %arg9[%scan3A_66, %dma_start3A_240, %dma_start3A_241] : memref<4x128x72xf32, #tpu.memory_space<vmem>> -> memref<1x128x72xf32, #tpu.memory_space<vmem>>
      %dma_start3A_243 = tpu.memref_squeeze %dma_start3A_242 : memref<1x128x72xf32, #tpu.memory_space<vmem>> -> memref<128x72xf32, #tpu.memory_space<vmem>>
      %dma_start3A_244 = arith.constant 0 : i32
      %dma_start3A_245 = tpu.memref_slice %arg7[%add3A_239, %dma_start3A_244] : memref<160x128xi32, #tpu.memory_space<vmem>> -> memref<1x128xi32, #tpu.memory_space<vmem>>
      %dma_start3A_246 = tpu.memref_squeeze %dma_start3A_245 : memref<1x128xi32, #tpu.memory_space<vmem>> -> memref<128xi32, #tpu.memory_space<vmem>>
      %dma_start3A_247 = arith.constant 0 : i32
      %dma_start3A_248 = arith.constant 0 : i32
      %dma_start3A_249 = tpu.memref_slice %arg2[%arg0, %dma_start3A_247, %dma_start3A_248] : memref<2x10001x72xf32, #tpu.memory_space<hbm>> -> memref<1x10001x72xf32, #tpu.memory_space<hbm>>
      %dma_start3A_250 = tpu.memref_squeeze %dma_start3A_249 : memref<1x10001x72xf32, #tpu.memory_space<hbm>> -> memref<10001x72xf32, #tpu.memory_space<hbm>>
      %dma_start3A_251 = arith.constant 0 : i32
      %dma_start3A_252 = arith.constant 0 : i32
      %dma_start3A_253 = tpu.memref_slice %dma_start3A_250[%dma_start3A_251, %dma_start3A_252] : memref<10001x72xf32, #tpu.memory_space<hbm>> -> memref<10001x72xf32, #tpu.memory_space<hbm>>
      tpu.enqueue_indirect_dma source(%dma_start3A_253 : memref<10001x72xf32, #tpu.memory_space<hbm>>) target(%dma_start3A_243 : memref<128x72xf32, #tpu.memory_space<vmem>>) offsets(%dma_start3A_246 : memref<128xi32, #tpu.memory_space<vmem>>) semaphore(%arg13 : memref<!tpu.dma_semaphore, #tpu.memory_space<semaphore_mem>>)
      %add3A_254 = arith.constant 3 : i32
      %add3A_255 = arith.addi %mul3A_146, %add3A_254 : i32
      %dma_wait3A_256 = arith.constant 0 : i32
      %dma_wait3A_257 = arith.constant 0 : i32
      %dma_wait3A_258 = tpu.memref_slice %arg9[%scan3A_67, %dma_wait3A_256, %dma_wait3A_257] : memref<4x128x72xf32, #tpu.memory_space<vmem>> -> memref<1x128x72xf32, #tpu.memory_space<vmem>>
      %dma_wait3A_259 = tpu.memref_squeeze %dma_wait3A_258 : memref<1x128x72xf32, #tpu.memory_space<vmem>> -> memref<128x72xf32, #tpu.memory_space<vmem>>
      %dma_wait3A_260 = arith.constant 0 : i32
      %dma_wait3A_261 = tpu.memref_slice %arg7[%add3A_255, %dma_wait3A_260] : memref<160x128xi32, #tpu.memory_space<vmem>> -> memref<1x128xi32, #tpu.memory_space<vmem>>
      %dma_wait3A_262 = tpu.memref_squeeze %dma_wait3A_261 : memref<1x128xi32, #tpu.memory_space<vmem>> -> memref<128xi32, #tpu.memory_space<vmem>>
      %dma_wait3A_263 = arith.constant 0 : i32
      %dma_wait3A_264 = arith.constant 0 : i32
      %dma_wait3A_265 = tpu.memref_slice %arg2[%arg0, %dma_wait3A_263, %dma_wait3A_264] : memref<2x10001x72xf32, #tpu.memory_space<hbm>> -> memref<1x10001x72xf32, #tpu.memory_space<hbm>>
      %dma_wait3A_266 = tpu.memref_squeeze %dma_wait3A_265 : memref<1x10001x72xf32, #tpu.memory_space<hbm>> -> memref<10001x72xf32, #tpu.memory_space<hbm>>
      %dma_wait3A_267 = arith.constant 0 : i32
      %dma_wait3A_268 = arith.constant 0 : i32
      %dma_wait3A_269 = tpu.memref_slice %dma_wait3A_266[%dma_wait3A_267, %dma_wait3A_268] : memref<10001x72xf32, #tpu.memory_space<hbm>> -> memref<10001x72xf32, #tpu.memory_space<hbm>>
      tpu.wait_indirect_dma semaphore(%arg14 : memref<!tpu.dma_semaphore, #tpu.memory_space<semaphore_mem>>) src(%dma_wait3A_269 : memref<10001x72xf32, #tpu.memory_space<hbm>>) dst(%dma_wait3A_259 : memref<128x72xf32, #tpu.memory_space<vmem>>)
      %add3A_270 = arith.constant 3 : i32
      %add3A_271 = arith.addi %mul3A_146, %add3A_270 : i32
      "tpu.region"() ({
        %run_scoped3A_290 = tpu.sem_alloc : memref<!tpu.dma_semaphore, #tpu.memory_space<semaphore_mem>>
        %dma_start3A_291 = arith.constant 0 : i32
        %dma_start3A_292 = arith.constant 0 : i32
        %dma_start3A_293 = tpu.memref_slice %arg9[%scan3A_67, %dma_start3A_291, %dma_start3A_292] : memref<4x128x72xf32, #tpu.memory_space<vmem>> -> memref<1x128x72xf32, #tpu.memory_space<vmem>>
        %dma_start3A_294 = tpu.memref_squeeze %dma_start3A_293 : memref<1x128x72xf32, #tpu.memory_space<vmem>> -> memref<128x72xf32, #tpu.memory_space<vmem>>
        %dma_start3A_295 = arith.constant 0 : i32
        %dma_start3A_296 = tpu.memref_slice %arg8[%add3A_271, %dma_start3A_295] : memref<160x128xi32, #tpu.memory_space<vmem>> -> memref<1x128xi32, #tpu.memory_space<vmem>>
        %dma_start3A_297 = tpu.memref_squeeze %dma_start3A_296 : memref<1x128xi32, #tpu.memory_space<vmem>> -> memref<128xi32, #tpu.memory_space<vmem>>
        %dma_start3A_298 = arith.constant 0 : i32
        %dma_start3A_299 = arith.constant 0 : i32
        %dma_start3A_300 = tpu.memref_slice %arg10[%dma_start3A_298, %dma_start3A_299] : memref<10000x72xf32, #tpu.memory_space<vmem_shared>> -> memref<10000x72xf32, #tpu.memory_space<vmem_shared>>
        tpu.enqueue_indirect_dma source(%dma_start3A_294 : memref<128x72xf32, #tpu.memory_space<vmem>>) target(%dma_start3A_300 : memref<10000x72xf32, #tpu.memory_space<vmem_shared>>) offsets(%dma_start3A_297 : memref<128xi32, #tpu.memory_space<vmem>>) semaphore(%run_scoped3A_290 : memref<!tpu.dma_semaphore, #tpu.memory_space<semaphore_mem>>) {add = true}
        %dma_wait3A_301 = arith.constant 0 : i32
        %dma_wait3A_302 = arith.constant 0 : i32
        %dma_wait3A_303 = tpu.memref_slice %arg9[%scan3A_67, %dma_wait3A_301, %dma_wait3A_302] : memref<4x128x72xf32, #tpu.memory_space<vmem>> -> memref<1x128x72xf32, #tpu.memory_space<vmem>>
        %dma_wait3A_304 = tpu.memref_squeeze %dma_wait3A_303 : memref<1x128x72xf32, #tpu.memory_space<vmem>> -> memref<128x72xf32, #tpu.memory_space<vmem>>
        %dma_wait3A_305 = arith.constant 0 : i32
        %dma_wait3A_306 = tpu.memref_slice %arg8[%add3A_271, %dma_wait3A_305] : memref<160x128xi32, #tpu.memory_space<vmem>> -> memref<1x128xi32, #tpu.memory_space<vmem>>
        %dma_wait3A_307 = tpu.memref_squeeze %dma_wait3A_306 : memref<1x128xi32, #tpu.memory_space<vmem>> -> memref<128xi32, #tpu.memory_space<vmem>>
        %dma_wait3A_308 = arith.constant 0 : i32
        %dma_wait3A_309 = arith.constant 0 : i32
        %dma_wait3A_310 = tpu.memref_slice %arg10[%dma_wait3A_308, %dma_wait3A_309] : memref<10000x72xf32, #tpu.memory_space<vmem_shared>> -> memref<10000x72xf32, #tpu.memory_space<vmem_shared>>
        tpu.wait_indirect_dma semaphore(%run_scoped3A_290 : memref<!tpu.dma_semaphore, #tpu.memory_space<semaphore_mem>>) src(%dma_wait3A_304 : memref<128x72xf32, #tpu.memory_space<vmem>>) dst(%dma_wait3A_310 : memref<10000x72xf32, #tpu.memory_space<vmem_shared>>)
        tpu.yield
      }) : () -> ()
      %add3A_272 = arith.constant 4 : i32
      %add3A_273 = arith.addi %mul3A_146, %add3A_272 : i32
      %add3A_274 = arith.constant 3 : i32
      %add3A_275 = arith.addi %add3A_273, %add3A_274 : i32
      %dma_start3A_276 = arith.constant 0 : i32
      %dma_start3A_277 = arith.constant 0 : i32
      %dma_start3A_278 = tpu.memref_slice %arg9[%scan3A_67, %dma_start3A_276, %dma_start3A_277] : memref<4x128x72xf32, #tpu.memory_space<vmem>> -> memref<1x128x72xf32, #tpu.memory_space<vmem>>
      %dma_start3A_279 = tpu.memref_squeeze %dma_start3A_278 : memref<1x128x72xf32, #tpu.memory_space<vmem>> -> memref<128x72xf32, #tpu.memory_space<vmem>>
      %dma_start3A_280 = arith.constant 0 : i32
      %dma_start3A_281 = tpu.memref_slice %arg7[%add3A_275, %dma_start3A_280] : memref<160x128xi32, #tpu.memory_space<vmem>> -> memref<1x128xi32, #tpu.memory_space<vmem>>
      %dma_start3A_282 = tpu.memref_squeeze %dma_start3A_281 : memref<1x128xi32, #tpu.memory_space<vmem>> -> memref<128xi32, #tpu.memory_space<vmem>>
      %dma_start3A_283 = arith.constant 0 : i32
      %dma_start3A_284 = arith.constant 0 : i32
      %dma_start3A_285 = tpu.memref_slice %arg2[%arg0, %dma_start3A_283, %dma_start3A_284] : memref<2x10001x72xf32, #tpu.memory_space<hbm>> -> memref<1x10001x72xf32, #tpu.memory_space<hbm>>
      %dma_start3A_286 = tpu.memref_squeeze %dma_start3A_285 : memref<1x10001x72xf32, #tpu.memory_space<hbm>> -> memref<10001x72xf32, #tpu.memory_space<hbm>>
      %dma_start3A_287 = arith.constant 0 : i32
      %dma_start3A_288 = arith.constant 0 : i32
      %dma_start3A_289 = tpu.memref_slice %dma_start3A_286[%dma_start3A_287, %dma_start3A_288] : memref<10001x72xf32, #tpu.memory_space<hbm>> -> memref<10001x72xf32, #tpu.memory_space<hbm>>
      tpu.enqueue_indirect_dma source(%dma_start3A_289 : memref<10001x72xf32, #tpu.memory_space<hbm>>) target(%dma_start3A_279 : memref<128x72xf32, #tpu.memory_space<vmem>>) offsets(%dma_start3A_282 : memref<128xi32, #tpu.memory_space<vmem>>) semaphore(%arg14 : memref<!tpu.dma_semaphore, #tpu.memory_space<semaphore_mem>>)
    }
    %scan3A_72 = arith.constant 39 : i32
    %dma_wait3A = arith.constant 156 : i32
    %dma_wait3A_73 = arith.constant 0 : i32
    %dma_wait3A_74 = arith.constant 0 : i32
    %dma_wait3A_75 = arith.constant 0 : i32
    %dma_wait3A_76 = tpu.memref_slice %arg9[%dma_wait3A_73, %dma_wait3A_74, %dma_wait3A_75] : memref<4x128x72xf32, #tpu.memory_space<vmem>> -> memref<1x128x72xf32, #tpu.memory_space<vmem>>
    %dma_wait3A_77 = tpu.memref_squeeze %dma_wait3A_76 : memref<1x128x72xf32, #tpu.memory_space<vmem>> -> memref<128x72xf32, #tpu.memory_space<vmem>>
    %dma_wait3A_78 = arith.constant 0 : i32
    %dma_wait3A_79 = tpu.memref_slice %arg7[%dma_wait3A, %dma_wait3A_78] : memref<160x128xi32, #tpu.memory_space<vmem>> -> memref<1x128xi32, #tpu.memory_space<vmem>>
    %dma_wait3A_80 = tpu.memref_squeeze %dma_wait3A_79 : memref<1x128xi32, #tpu.memory_space<vmem>> -> memref<128xi32, #tpu.memory_space<vmem>>
    %dma_wait3A_81 = arith.constant 0 : i32
    %dma_wait3A_82 = arith.constant 0 : i32
    %dma_wait3A_83 = tpu.memref_slice %arg2[%arg0, %dma_wait3A_81, %dma_wait3A_82] : memref<2x10001x72xf32, #tpu.memory_space<hbm>> -> memref<1x10001x72xf32, #tpu.memory_space<hbm>>
    %dma_wait3A_84 = tpu.memref_squeeze %dma_wait3A_83 : memref<1x10001x72xf32, #tpu.memory_space<hbm>> -> memref<10001x72xf32, #tpu.memory_space<hbm>>
    %dma_wait3A_85 = arith.constant 0 : i32
    %dma_wait3A_86 = arith.constant 0 : i32
    %dma_wait3A_87 = tpu.memref_slice %dma_wait3A_84[%dma_wait3A_85, %dma_wait3A_86] : memref<10001x72xf32, #tpu.memory_space<hbm>> -> memref<10001x72xf32, #tpu.memory_space<hbm>>
    tpu.wait_indirect_dma semaphore(%arg11 : memref<!tpu.dma_semaphore, #tpu.memory_space<semaphore_mem>>) src(%dma_wait3A_87 : memref<10001x72xf32, #tpu.memory_space<hbm>>) dst(%dma_wait3A_77 : memref<128x72xf32, #tpu.memory_space<vmem>>)
    %run_scoped3A = arith.constant 0 : i32
    %run_scoped3A_88 = arith.constant 156 : i32
    "tpu.region"() ({
      %run_scoped3A_144 = tpu.sem_alloc : memref<!tpu.dma_semaphore, #tpu.memory_space<semaphore_mem>>
      %dma_start3A_145 = arith.constant 0 : i32
      %dma_start3A_146 = arith.constant 0 : i32
      %dma_start3A_147 = tpu.memref_slice %arg9[%run_scoped3A, %dma_start3A_145, %dma_start3A_146] : memref<4x128x72xf32, #tpu.memory_space<vmem>> -> memref<1x128x72xf32, #tpu.memory_space<vmem>>
      %dma_start3A_148 = tpu.memref_squeeze %dma_start3A_147 : memref<1x128x72xf32, #tpu.memory_space<vmem>> -> memref<128x72xf32, #tpu.memory_space<vmem>>
      %dma_start3A_149 = arith.constant 0 : i32
      %dma_start3A_150 = tpu.memref_slice %arg8[%run_scoped3A_88, %dma_start3A_149] : memref<160x128xi32, #tpu.memory_space<vmem>> -> memref<1x128xi32, #tpu.memory_space<vmem>>
      %dma_start3A_151 = tpu.memref_squeeze %dma_start3A_150 : memref<1x128xi32, #tpu.memory_space<vmem>> -> memref<128xi32, #tpu.memory_space<vmem>>
      %dma_start3A_152 = arith.constant 0 : i32
      %dma_start3A_153 = arith.constant 0 : i32
      %dma_start3A_154 = tpu.memref_slice %arg10[%dma_start3A_152, %dma_start3A_153] : memref<10000x72xf32, #tpu.memory_space<vmem_shared>> -> memref<10000x72xf32, #tpu.memory_space<vmem_shared>>
      tpu.enqueue_indirect_dma source(%dma_start3A_148 : memref<128x72xf32, #tpu.memory_space<vmem>>) target(%dma_start3A_154 : memref<10000x72xf32, #tpu.memory_space<vmem_shared>>) offsets(%dma_start3A_151 : memref<128xi32, #tpu.memory_space<vmem>>) semaphore(%run_scoped3A_144 : memref<!tpu.dma_semaphore, #tpu.memory_space<semaphore_mem>>) {add = true}
      %dma_wait3A_155 = arith.constant 0 : i32
      %dma_wait3A_156 = arith.constant 0 : i32
      %dma_wait3A_157 = tpu.memref_slice %arg9[%run_scoped3A, %dma_wait3A_155, %dma_wait3A_156] : memref<4x128x72xf32, #tpu.memory_space<vmem>> -> memref<1x128x72xf32, #tpu.memory_space<vmem>>
      %dma_wait3A_158 = tpu.memref_squeeze %dma_wait3A_157 : memref<1x128x72xf32, #tpu.memory_space<vmem>> -> memref<128x72xf32, #tpu.memory_space<vmem>>
      %dma_wait3A_159 = arith.constant 0 : i32
      %dma_wait3A_160 = tpu.memref_slice %arg8[%run_scoped3A_88, %dma_wait3A_159] : memref<160x128xi32, #tpu.memory_space<vmem>> -> memref<1x128xi32, #tpu.memory_space<vmem>>
      %dma_wait3A_161 = tpu.memref_squeeze %dma_wait3A_160 : memref<1x128xi32, #tpu.memory_space<vmem>> -> memref<128xi32, #tpu.memory_space<vmem>>
      %dma_wait3A_162 = arith.constant 0 : i32
      %dma_wait3A_163 = arith.constant 0 : i32
      %dma_wait3A_164 = tpu.memref_slice %arg10[%dma_wait3A_162, %dma_wait3A_163] : memref<10000x72xf32, #tpu.memory_space<vmem_shared>> -> memref<10000x72xf32, #tpu.memory_space<vmem_shared>>
      tpu.wait_indirect_dma semaphore(%run_scoped3A_144 : memref<!tpu.dma_semaphore, #tpu.memory_space<semaphore_mem>>) src(%dma_wait3A_158 : memref<128x72xf32, #tpu.memory_space<vmem>>) dst(%dma_wait3A_164 : memref<10000x72xf32, #tpu.memory_space<vmem_shared>>)
      tpu.yield
    }) : () -> ()
    %dma_wait3A_89 = arith.constant 157 : i32
    %dma_wait3A_90 = arith.constant 1 : i32
    %dma_wait3A_91 = arith.constant 0 : i32
    %dma_wait3A_92 = arith.constant 0 : i32
    %dma_wait3A_93 = tpu.memref_slice %arg9[%dma_wait3A_90, %dma_wait3A_91, %dma_wait3A_92] : memref<4x128x72xf32, #tpu.memory_space<vmem>> -> memref<1x128x72xf32, #tpu.memory_space<vmem>>
    %dma_wait3A_94 = tpu.memref_squeeze %dma_wait3A_93 : memref<1x128x72xf32, #tpu.memory_space<vmem>> -> memref<128x72xf32, #tpu.memory_space<vmem>>
    %dma_wait3A_95 = arith.constant 0 : i32
    %dma_wait3A_96 = tpu.memref_slice %arg7[%dma_wait3A_89, %dma_wait3A_95] : memref<160x128xi32, #tpu.memory_space<vmem>> -> memref<1x128xi32, #tpu.memory_space<vmem>>
    %dma_wait3A_97 = tpu.memref_squeeze %dma_wait3A_96 : memref<1x128xi32, #tpu.memory_space<vmem>> -> memref<128xi32, #tpu.memory_space<vmem>>
    %dma_wait3A_98 = arith.constant 0 : i32
    %dma_wait3A_99 = arith.constant 0 : i32
    %dma_wait3A_100 = tpu.memref_slice %arg2[%arg0, %dma_wait3A_98, %dma_wait3A_99] : memref<2x10001x72xf32, #tpu.memory_space<hbm>> -> memref<1x10001x72xf32, #tpu.memory_space<hbm>>
    %dma_wait3A_101 = tpu.memref_squeeze %dma_wait3A_100 : memref<1x10001x72xf32, #tpu.memory_space<hbm>> -> memref<10001x72xf32, #tpu.memory_space<hbm>>
    %dma_wait3A_102 = arith.constant 0 : i32
    %dma_wait3A_103 = arith.constant 0 : i32
    %dma_wait3A_104 = tpu.memref_slice %dma_wait3A_101[%dma_wait3A_102, %dma_wait3A_103] : memref<10001x72xf32, #tpu.memory_space<hbm>> -> memref<10001x72xf32, #tpu.memory_space<hbm>>
    tpu.wait_indirect_dma semaphore(%arg12 : memref<!tpu.dma_semaphore, #tpu.memory_space<semaphore_mem>>) src(%dma_wait3A_104 : memref<10001x72xf32, #tpu.memory_space<hbm>>) dst(%dma_wait3A_94 : memref<128x72xf32, #tpu.memory_space<vmem>>)
    %run_scoped3A_105 = arith.constant 1 : i32
    %run_scoped3A_106 = arith.constant 157 : i32
    "tpu.region"() ({
      %run_scoped3A_144 = tpu.sem_alloc : memref<!tpu.dma_semaphore, #tpu.memory_space<semaphore_mem>>
      %dma_start3A_145 = arith.constant 0 : i32
      %dma_start3A_146 = arith.constant 0 : i32
      %dma_start3A_147 = tpu.memref_slice %arg9[%run_scoped3A_105, %dma_start3A_145, %dma_start3A_146] : memref<4x128x72xf32, #tpu.memory_space<vmem>> -> memref<1x128x72xf32, #tpu.memory_space<vmem>>
      %dma_start3A_148 = tpu.memref_squeeze %dma_start3A_147 : memref<1x128x72xf32, #tpu.memory_space<vmem>> -> memref<128x72xf32, #tpu.memory_space<vmem>>
      %dma_start3A_149 = arith.constant 0 : i32
      %dma_start3A_150 = tpu.memref_slice %arg8[%run_scoped3A_106, %dma_start3A_149] : memref<160x128xi32, #tpu.memory_space<vmem>> -> memref<1x128xi32, #tpu.memory_space<vmem>>
      %dma_start3A_151 = tpu.memref_squeeze %dma_start3A_150 : memref<1x128xi32, #tpu.memory_space<vmem>> -> memref<128xi32, #tpu.memory_space<vmem>>
      %dma_start3A_152 = arith.constant 0 : i32
      %dma_start3A_153 = arith.constant 0 : i32
      %dma_start3A_154 = tpu.memref_slice %arg10[%dma_start3A_152, %dma_start3A_153] : memref<10000x72xf32, #tpu.memory_space<vmem_shared>> -> memref<10000x72xf32, #tpu.memory_space<vmem_shared>>
      tpu.enqueue_indirect_dma source(%dma_start3A_148 : memref<128x72xf32, #tpu.memory_space<vmem>>) target(%dma_start3A_154 : memref<10000x72xf32, #tpu.memory_space<vmem_shared>>) offsets(%dma_start3A_151 : memref<128xi32, #tpu.memory_space<vmem>>) semaphore(%run_scoped3A_144 : memref<!tpu.dma_semaphore, #tpu.memory_space<semaphore_mem>>) {add = true}
      %dma_wait3A_155 = arith.constant 0 : i32
      %dma_wait3A_156 = arith.constant 0 : i32
      %dma_wait3A_157 = tpu.memref_slice %arg9[%run_scoped3A_105, %dma_wait3A_155, %dma_wait3A_156] : memref<4x128x72xf32, #tpu.memory_space<vmem>> -> memref<1x128x72xf32, #tpu.memory_space<vmem>>
      %dma_wait3A_158 = tpu.memref_squeeze %dma_wait3A_157 : memref<1x128x72xf32, #tpu.memory_space<vmem>> -> memref<128x72xf32, #tpu.memory_space<vmem>>
      %dma_wait3A_159 = arith.constant 0 : i32
      %dma_wait3A_160 = tpu.memref_slice %arg8[%run_scoped3A_106, %dma_wait3A_159] : memref<160x128xi32, #tpu.memory_space<vmem>> -> memref<1x128xi32, #tpu.memory_space<vmem>>
      %dma_wait3A_161 = tpu.memref_squeeze %dma_wait3A_160 : memref<1x128xi32, #tpu.memory_space<vmem>> -> memref<128xi32, #tpu.memory_space<vmem>>
      %dma_wait3A_162 = arith.constant 0 : i32
      %dma_wait3A_163 = arith.constant 0 : i32
      %dma_wait3A_164 = tpu.memref_slice %arg10[%dma_wait3A_162, %dma_wait3A_163] : memref<10000x72xf32, #tpu.memory_space<vmem_shared>> -> memref<10000x72xf32, #tpu.memory_space<vmem_shared>>
      tpu.wait_indirect_dma semaphore(%run_scoped3A_144 : memref<!tpu.dma_semaphore, #tpu.memory_space<semaphore_mem>>) src(%dma_wait3A_158 : memref<128x72xf32, #tpu.memory_space<vmem>>) dst(%dma_wait3A_164 : memref<10000x72xf32, #tpu.memory_space<vmem_shared>>)
      tpu.yield
    }) : () -> ()
    %dma_wait3A_107 = arith.constant 158 : i32
    %dma_wait3A_108 = arith.constant 2 : i32
    %dma_wait3A_109 = arith.constant 0 : i32
    %dma_wait3A_110 = arith.constant 0 : i32
    %dma_wait3A_111 = tpu.memref_slice %arg9[%dma_wait3A_108, %dma_wait3A_109, %dma_wait3A_110] : memref<4x128x72xf32, #tpu.memory_space<vmem>> -> memref<1x128x72xf32, #tpu.memory_space<vmem>>
    %dma_wait3A_112 = tpu.memref_squeeze %dma_wait3A_111 : memref<1x128x72xf32, #tpu.memory_space<vmem>> -> memref<128x72xf32, #tpu.memory_space<vmem>>
    %dma_wait3A_113 = arith.constant 0 : i32
    %dma_wait3A_114 = tpu.memref_slice %arg7[%dma_wait3A_107, %dma_wait3A_113] : memref<160x128xi32, #tpu.memory_space<vmem>> -> memref<1x128xi32, #tpu.memory_space<vmem>>
    %dma_wait3A_115 = tpu.memref_squeeze %dma_wait3A_114 : memref<1x128xi32, #tpu.memory_space<vmem>> -> memref<128xi32, #tpu.memory_space<vmem>>
    %dma_wait3A_116 = arith.constant 0 : i32
    %dma_wait3A_117 = arith.constant 0 : i32
    %dma_wait3A_118 = tpu.memref_slice %arg2[%arg0, %dma_wait3A_116, %dma_wait3A_117] : memref<2x10001x72xf32, #tpu.memory_space<hbm>> -> memref<1x10001x72xf32, #tpu.memory_space<hbm>>
    %dma_wait3A_119 = tpu.memref_squeeze %dma_wait3A_118 : memref<1x10001x72xf32, #tpu.memory_space<hbm>> -> memref<10001x72xf32, #tpu.memory_space<hbm>>
    %dma_wait3A_120 = arith.constant 0 : i32
    %dma_wait3A_121 = arith.constant 0 : i32
    %dma_wait3A_122 = tpu.memref_slice %dma_wait3A_119[%dma_wait3A_120, %dma_wait3A_121] : memref<10001x72xf32, #tpu.memory_space<hbm>> -> memref<10001x72xf32, #tpu.memory_space<hbm>>
    tpu.wait_indirect_dma semaphore(%arg13 : memref<!tpu.dma_semaphore, #tpu.memory_space<semaphore_mem>>) src(%dma_wait3A_122 : memref<10001x72xf32, #tpu.memory_space<hbm>>) dst(%dma_wait3A_112 : memref<128x72xf32, #tpu.memory_space<vmem>>)
    %run_scoped3A_123 = arith.constant 2 : i32
    %run_scoped3A_124 = arith.constant 158 : i32
    "tpu.region"() ({
      %run_scoped3A_144 = tpu.sem_alloc : memref<!tpu.dma_semaphore, #tpu.memory_space<semaphore_mem>>
      %dma_start3A_145 = arith.constant 0 : i32
      %dma_start3A_146 = arith.constant 0 : i32
      %dma_start3A_147 = tpu.memref_slice %arg9[%run_scoped3A_123, %dma_start3A_145, %dma_start3A_146] : memref<4x128x72xf32, #tpu.memory_space<vmem>> -> memref<1x128x72xf32, #tpu.memory_space<vmem>>
      %dma_start3A_148 = tpu.memref_squeeze %dma_start3A_147 : memref<1x128x72xf32, #tpu.memory_space<vmem>> -> memref<128x72xf32, #tpu.memory_space<vmem>>
      %dma_start3A_149 = arith.constant 0 : i32
      %dma_start3A_150 = tpu.memref_slice %arg8[%run_scoped3A_124, %dma_start3A_149] : memref<160x128xi32, #tpu.memory_space<vmem>> -> memref<1x128xi32, #tpu.memory_space<vmem>>
      %dma_start3A_151 = tpu.memref_squeeze %dma_start3A_150 : memref<1x128xi32, #tpu.memory_space<vmem>> -> memref<128xi32, #tpu.memory_space<vmem>>
      %dma_start3A_152 = arith.constant 0 : i32
      %dma_start3A_153 = arith.constant 0 : i32
      %dma_start3A_154 = tpu.memref_slice %arg10[%dma_start3A_152, %dma_start3A_153] : memref<10000x72xf32, #tpu.memory_space<vmem_shared>> -> memref<10000x72xf32, #tpu.memory_space<vmem_shared>>
      tpu.enqueue_indirect_dma source(%dma_start3A_148 : memref<128x72xf32, #tpu.memory_space<vmem>>) target(%dma_start3A_154 : memref<10000x72xf32, #tpu.memory_space<vmem_shared>>) offsets(%dma_start3A_151 : memref<128xi32, #tpu.memory_space<vmem>>) semaphore(%run_scoped3A_144 : memref<!tpu.dma_semaphore, #tpu.memory_space<semaphore_mem>>) {add = true}
      %dma_wait3A_155 = arith.constant 0 : i32
      %dma_wait3A_156 = arith.constant 0 : i32
      %dma_wait3A_157 = tpu.memref_slice %arg9[%run_scoped3A_123, %dma_wait3A_155, %dma_wait3A_156] : memref<4x128x72xf32, #tpu.memory_space<vmem>> -> memref<1x128x72xf32, #tpu.memory_space<vmem>>
      %dma_wait3A_158 = tpu.memref_squeeze %dma_wait3A_157 : memref<1x128x72xf32, #tpu.memory_space<vmem>> -> memref<128x72xf32, #tpu.memory_space<vmem>>
      %dma_wait3A_159 = arith.constant 0 : i32
      %dma_wait3A_160 = tpu.memref_slice %arg8[%run_scoped3A_124, %dma_wait3A_159] : memref<160x128xi32, #tpu.memory_space<vmem>> -> memref<1x128xi32, #tpu.memory_space<vmem>>
      %dma_wait3A_161 = tpu.memref_squeeze %dma_wait3A_160 : memref<1x128xi32, #tpu.memory_space<vmem>> -> memref<128xi32, #tpu.memory_space<vmem>>
      %dma_wait3A_162 = arith.constant 0 : i32
      %dma_wait3A_163 = arith.constant 0 : i32
      %dma_wait3A_164 = tpu.memref_slice %arg10[%dma_wait3A_162, %dma_wait3A_163] : memref<10000x72xf32, #tpu.memory_space<vmem_shared>> -> memref<10000x72xf32, #tpu.memory_space<vmem_shared>>
      tpu.wait_indirect_dma semaphore(%run_scoped3A_144 : memref<!tpu.dma_semaphore, #tpu.memory_space<semaphore_mem>>) src(%dma_wait3A_158 : memref<128x72xf32, #tpu.memory_space<vmem>>) dst(%dma_wait3A_164 : memref<10000x72xf32, #tpu.memory_space<vmem_shared>>)
      tpu.yield
    }) : () -> ()
    %dma_wait3A_125 = arith.constant 159 : i32
    %dma_wait3A_126 = arith.constant 3 : i32
    %dma_wait3A_127 = arith.constant 0 : i32
    %dma_wait3A_128 = arith.constant 0 : i32
    %dma_wait3A_129 = tpu.memref_slice %arg9[%dma_wait3A_126, %dma_wait3A_127, %dma_wait3A_128] : memref<4x128x72xf32, #tpu.memory_space<vmem>> -> memref<1x128x72xf32, #tpu.memory_space<vmem>>
    %dma_wait3A_130 = tpu.memref_squeeze %dma_wait3A_129 : memref<1x128x72xf32, #tpu.memory_space<vmem>> -> memref<128x72xf32, #tpu.memory_space<vmem>>
    %dma_wait3A_131 = arith.constant 0 : i32
    %dma_wait3A_132 = tpu.memref_slice %arg7[%dma_wait3A_125, %dma_wait3A_131] : memref<160x128xi32, #tpu.memory_space<vmem>> -> memref<1x128xi32, #tpu.memory_space<vmem>>
    %dma_wait3A_133 = tpu.memref_squeeze %dma_wait3A_132 : memref<1x128xi32, #tpu.memory_space<vmem>> -> memref<128xi32, #tpu.memory_space<vmem>>
    %dma_wait3A_134 = arith.constant 0 : i32
    %dma_wait3A_135 = arith.constant 0 : i32
    %dma_wait3A_136 = tpu.memref_slice %arg2[%arg0, %dma_wait3A_134, %dma_wait3A_135] : memref<2x10001x72xf32, #tpu.memory_space<hbm>> -> memref<1x10001x72xf32, #tpu.memory_space<hbm>>
    %dma_wait3A_137 = tpu.memref_squeeze %dma_wait3A_136 : memref<1x10001x72xf32, #tpu.memory_space<hbm>> -> memref<10001x72xf32, #tpu.memory_space<hbm>>
    %dma_wait3A_138 = arith.constant 0 : i32
    %dma_wait3A_139 = arith.constant 0 : i32
    %dma_wait3A_140 = tpu.memref_slice %dma_wait3A_137[%dma_wait3A_138, %dma_wait3A_139] : memref<10001x72xf32, #tpu.memory_space<hbm>> -> memref<10001x72xf32, #tpu.memory_space<hbm>>
    tpu.wait_indirect_dma semaphore(%arg14 : memref<!tpu.dma_semaphore, #tpu.memory_space<semaphore_mem>>) src(%dma_wait3A_140 : memref<10001x72xf32, #tpu.memory_space<hbm>>) dst(%dma_wait3A_130 : memref<128x72xf32, #tpu.memory_space<vmem>>)
    %run_scoped3A_141 = arith.constant 3 : i32
    %run_scoped3A_142 = arith.constant 159 : i32
    "tpu.region"() ({
      %run_scoped3A_144 = tpu.sem_alloc : memref<!tpu.dma_semaphore, #tpu.memory_space<semaphore_mem>>
      %dma_start3A_145 = arith.constant 0 : i32
      %dma_start3A_146 = arith.constant 0 : i32
      %dma_start3A_147 = tpu.memref_slice %arg9[%run_scoped3A_141, %dma_start3A_145, %dma_start3A_146] : memref<4x128x72xf32, #tpu.memory_space<vmem>> -> memref<1x128x72xf32, #tpu.memory_space<vmem>>
      %dma_start3A_148 = tpu.memref_squeeze %dma_start3A_147 : memref<1x128x72xf32, #tpu.memory_space<vmem>> -> memref<128x72xf32, #tpu.memory_space<vmem>>
      %dma_start3A_149 = arith.constant 0 : i32
      %dma_start3A_150 = tpu.memref_slice %arg8[%run_scoped3A_142, %dma_start3A_149] : memref<160x128xi32, #tpu.memory_space<vmem>> -> memref<1x128xi32, #tpu.memory_space<vmem>>
      %dma_start3A_151 = tpu.memref_squeeze %dma_start3A_150 : memref<1x128xi32, #tpu.memory_space<vmem>> -> memref<128xi32, #tpu.memory_space<vmem>>
      %dma_start3A_152 = arith.constant 0 : i32
      %dma_start3A_153 = arith.constant 0 : i32
      %dma_start3A_154 = tpu.memref_slice %arg10[%dma_start3A_152, %dma_start3A_153] : memref<10000x72xf32, #tpu.memory_space<vmem_shared>> -> memref<10000x72xf32, #tpu.memory_space<vmem_shared>>
      tpu.enqueue_indirect_dma source(%dma_start3A_148 : memref<128x72xf32, #tpu.memory_space<vmem>>) target(%dma_start3A_154 : memref<10000x72xf32, #tpu.memory_space<vmem_shared>>) offsets(%dma_start3A_151 : memref<128xi32, #tpu.memory_space<vmem>>) semaphore(%run_scoped3A_144 : memref<!tpu.dma_semaphore, #tpu.memory_space<semaphore_mem>>) {add = true}
      %dma_wait3A_155 = arith.constant 0 : i32
      %dma_wait3A_156 = arith.constant 0 : i32
      %dma_wait3A_157 = tpu.memref_slice %arg9[%run_scoped3A_141, %dma_wait3A_155, %dma_wait3A_156] : memref<4x128x72xf32, #tpu.memory_space<vmem>> -> memref<1x128x72xf32, #tpu.memory_space<vmem>>
      %dma_wait3A_158 = tpu.memref_squeeze %dma_wait3A_157 : memref<1x128x72xf32, #tpu.memory_space<vmem>> -> memref<128x72xf32, #tpu.memory_space<vmem>>
      %dma_wait3A_159 = arith.constant 0 : i32
      %dma_wait3A_160 = tpu.memref_slice %arg8[%run_scoped3A_142, %dma_wait3A_159] : memref<160x128xi32, #tpu.memory_space<vmem>> -> memref<1x128xi32, #tpu.memory_space<vmem>>
      %dma_wait3A_161 = tpu.memref_squeeze %dma_wait3A_160 : memref<1x128xi32, #tpu.memory_space<vmem>> -> memref<128xi32, #tpu.memory_space<vmem>>
      %dma_wait3A_162 = arith.constant 0 : i32
      %dma_wait3A_163 = arith.constant 0 : i32
      %dma_wait3A_164 = tpu.memref_slice %arg10[%dma_wait3A_162, %dma_wait3A_163] : memref<10000x72xf32, #tpu.memory_space<vmem_shared>> -> memref<10000x72xf32, #tpu.memory_space<vmem_shared>>
      tpu.wait_indirect_dma semaphore(%run_scoped3A_144 : memref<!tpu.dma_semaphore, #tpu.memory_space<semaphore_mem>>) src(%dma_wait3A_158 : memref<128x72xf32, #tpu.memory_space<vmem>>) dst(%dma_wait3A_164 : memref<10000x72xf32, #tpu.memory_space<vmem_shared>>)
      tpu.yield
    }) : () -> ()
    %barrier3A_143 = arith.constant 0 : index
    tpu.barrier barrier_id(%barrier3A_143)
    "tpu.region"() ({
      %run_scoped3A_144 = tpu.sem_alloc : memref<!tpu.dma_semaphore, #tpu.memory_space<semaphore_mem>>
      %dma_start3A_145 = arith.constant 0 : i32
      %dma_start3A_146 = tpu.memref_slice %arg6[%arg0, %mul3A_0, %dma_start3A_145] : memref<2x10000x72xf32, #tpu.memory_space<hbm>> -> memref<1x625x72xf32, #tpu.memory_space<hbm>>
      %dma_start3A_147 = tpu.memref_squeeze %dma_start3A_146 : memref<1x625x72xf32, #tpu.memory_space<hbm>> -> memref<625x72xf32, #tpu.memory_space<hbm>>
      %dma_start3A_148 = arith.constant 0 : i32
      %dma_start3A_149 = tpu.memref_slice %arg10[%mul3A_0, %dma_start3A_148] : memref<10000x72xf32, #tpu.memory_space<vmem_shared>> -> memref<625x72xf32, #tpu.memory_space<vmem_shared>>
      tpu.enqueue_dma source(%dma_start3A_149 : memref<625x72xf32, #tpu.memory_space<vmem_shared>>) target(%dma_start3A_147 : memref<625x72xf32, #tpu.memory_space<hbm>>) target_semaphore(%run_scoped3A_144 : memref<!tpu.dma_semaphore, #tpu.memory_space<semaphore_mem>>)
      %dma_wait3A_150 = arith.constant 0 : i32
      %dma_wait3A_151 = tpu.memref_slice %arg6[%arg0, %mul3A_0, %dma_wait3A_150] : memref<2x10000x72xf32, #tpu.memory_space<hbm>> -> memref<1x625x72xf32, #tpu.memory_space<hbm>>
      %dma_wait3A_152 = tpu.memref_squeeze %dma_wait3A_151 : memref<1x625x72xf32, #tpu.memory_space<hbm>> -> memref<625x72xf32, #tpu.memory_space<hbm>>
      %dma_wait3A_153 = arith.constant 0 : i32
      %dma_wait3A_154 = tpu.memref_slice %arg10[%mul3A_0, %dma_wait3A_153] : memref<10000x72xf32, #tpu.memory_space<vmem_shared>> -> memref<625x72xf32, #tpu.memory_space<vmem_shared>>
      tpu.wait_dma2 semaphore(%run_scoped3A_144 : memref<!tpu.dma_semaphore, #tpu.memory_space<semaphore_mem>>) src(%dma_wait3A_154 : memref<625x72xf32, #tpu.memory_space<vmem_shared>>) dst(%dma_wait3A_152 : memref<625x72xf32, #tpu.memory_space<hbm>>)
      tpu.yield
    }) : () -> ()
    return
  }
}

module attributes {stable_mosaic.version = 14 : i64} {
  func.func @_tc_layer1(%arg0: i32, %arg1: memref<2000x128xf32, #tpu.memory_space<vmem>>, %arg2: memref<2000x72xf32, #tpu.memory_space<vmem>>, %arg3: memref<2000x72xf32, #tpu.memory_space<vmem>>, %arg4: memref<128x128xf32, #tpu.memory_space<vmem>>, %arg5: memref<128x128xf32, #tpu.memory_space<vmem>>, %arg6: memref<1x128xf32, #tpu.memory_space<vmem>>, %arg7: memref<2000x128xf32, #tpu.memory_space<vmem>>, %arg8: memref<2000x8xf32, #tpu.memory_space<vmem>>) attributes {dimension_semantics = [#tpu.dimension_semantics<arbitrary>], iteration_bounds = array<i64: 5>, scalar_prefetch = 0 : i64, scratch_operands = 0 : i64, tpu.core_type = #tpu.core_type<tc>, window_params = [{transform_indices = @transform_0, window_bounds = array<i64: 2000, 128>}, {transform_indices = @transform_1, window_bounds = array<i64: 2000, 72>}, {transform_indices = @transform_2, window_bounds = array<i64: 2000, 72>}, {pipeline_mode = #tpu.pipeline_mode<synchronous>, transform_indices = @transform_3, window_bounds = array<i64: 128, 128>}, {pipeline_mode = #tpu.pipeline_mode<synchronous>, transform_indices = @transform_4, window_bounds = array<i64: 128, 128>}, {pipeline_mode = #tpu.pipeline_mode<synchronous>, transform_indices = @transform_5, window_bounds = array<i64: 1, 128>}, {transform_indices = @transform_6, window_bounds = array<i64: 2000, 128>}, {transform_indices = @transform_7, window_bounds = array<i64: 2000, 8>}]} {
    %get3A = arith.constant 0 : index
    %get3A_0 = arith.constant 0 : index
    %get3A_1 = vector.load %arg2[%get3A, %get3A_0] : memref<2000x72xf32, #tpu.memory_space<vmem>>, vector<2000x72xf32>
    %get3A_2 = arith.constant 0 : index
    %get3A_3 = arith.constant 0 : index
    %get3A_4 = vector.load %arg3[%get3A_2, %get3A_3] : memref<2000x72xf32, #tpu.memory_space<vmem>>, vector<2000x72xf32>
    %slice3A = vector.extract_strided_slice %get3A_4 {offsets = [0, 56], sizes = [2000, 16], strides = [1, 1]} : vector<2000x72xf32> to vector<2000x16xf32>
    %reduce_sum3A = arith.constant dense<0.000000e+00> : vector<2000xf32>
    %reduce_sum3A_5 = vector.multi_reduction <add>, %slice3A, %reduce_sum3A [1] : vector<2000x16xf32> to vector<2000xf32>
    %broadcast_in_dim3A = vector.shape_cast %reduce_sum3A_5 : vector<2000xf32> to vector<2000x1xf32>
    %max3A = arith.constant 1.000000e+00 : f32
    %max3A_6 = vector.broadcast %max3A : f32 to vector<2000x1xf32>
    %max3A_7 = arith.maximumf %broadcast_in_dim3A, %max3A_6 : vector<2000x1xf32>
    %div3A = arith.constant 1.000000e+00 : f32
    %div3A_8 = vector.broadcast %div3A : f32 to vector<2000x1xf32>
    %div3A_9 = arith.divf %div3A_8, %max3A_7 : vector<2000x1xf32>
    %slice3A_10 = vector.extract_strided_slice %get3A_4 {offsets = [0, 0], sizes = [2000, 56], strides = [1, 1]} : vector<2000x72xf32> to vector<2000x56xf32>
    %concatenate3A = tpu.concatenate %get3A_1, %slice3A_10 in 1 : vector<2000x72xf32>, vector<2000x56xf32> -> vector<2000x128xf32>
    %mul3A = vector.broadcast %div3A_9 : vector<2000x1xf32> to vector<2000x128xf32>
    %mul3A_11 = arith.mulf %concatenate3A, %mul3A : vector<2000x128xf32>
    %get3A_12 = arith.constant 0 : index
    %get3A_13 = arith.constant 0 : index
    %get3A_14 = vector.load %arg1[%get3A_12, %get3A_13] : memref<2000x128xf32, #tpu.memory_space<vmem>>, vector<2000x128xf32>
    %get3A_15 = arith.constant 0 : index
    %get3A_16 = arith.constant 0 : index
    %get3A_17 = vector.load %arg4[%get3A_15, %get3A_16] : memref<128x128xf32, #tpu.memory_space<vmem>>, vector<128x128xf32>
    %dot_general3A = arith.constant dense<0.000000e+00> : vector<2000x128xf32>
    %dot_general3A_18 = tpu.matmul %get3A_14, %get3A_17, %dot_general3A {dimension_numbers = #tpu.dot_dimension_numbers<[1], [0], [0], [1], [0, 0, 1, 1], [], []>, transpose_lhs_hint = false} : vector<2000x128xf32>, vector<128x128xf32>, vector<2000x128xf32> -> vector<2000x128xf32>
    %get3A_19 = arith.constant 0 : index
    %get3A_20 = arith.constant 0 : index
    %get3A_21 = vector.load %arg5[%get3A_19, %get3A_20] : memref<128x128xf32, #tpu.memory_space<vmem>>, vector<128x128xf32>
    %dot_general3A_22 = arith.constant dense<0.000000e+00> : vector<2000x128xf32>
    %dot_general3A_23 = tpu.matmul %mul3A_11, %get3A_21, %dot_general3A_22 {dimension_numbers = #tpu.dot_dimension_numbers<[1], [0], [0], [1], [0, 0, 1, 1], [], []>, transpose_lhs_hint = false} : vector<2000x128xf32>, vector<128x128xf32>, vector<2000x128xf32> -> vector<2000x128xf32>
    %add3A = arith.addf %dot_general3A_18, %dot_general3A_23 : vector<2000x128xf32>
    %get3A_24 = arith.constant 0 : index
    %get3A_25 = arith.constant 0 : index
    %get3A_26 = vector.load %arg6[%get3A_24, %get3A_25] : memref<1x128xf32, #tpu.memory_space<vmem>>, vector<1x128xf32>
    %add3A_27 = vector.broadcast %get3A_26 : vector<1x128xf32> to vector<2000x128xf32>
    %add3A_28 = arith.addf %add3A, %add3A_27 : vector<2000x128xf32>
    %max3A_29 = arith.constant 0.000000e+00 : f32
    %max3A_30 = vector.broadcast %max3A_29 : f32 to vector<2000x128xf32>
    %max3A_31 = arith.maximumf %add3A_28, %max3A_30 : vector<2000x128xf32>
    %swap3A = arith.constant 0 : index
    %swap3A_32 = arith.constant 0 : index
    %swap3A_33 = vector.load %arg7[%swap3A, %swap3A_32] : memref<2000x128xf32, #tpu.memory_space<vmem>>, vector<2000x128xf32>
    tpu.vector_store %arg7[%swap3A, %swap3A_32], %max3A_31 {strides = array<i32>} : memref<2000x128xf32, #tpu.memory_space<vmem>>, vector<2000x128xf32>,
    %broadcast_in_dim3A_34 = vector.shape_cast %div3A_9 : vector<2000x1xf32> to vector<2000x1xf32>
    %broadcast_in_dim3A_35 = vector.broadcast %broadcast_in_dim3A_34 : vector<2000x1xf32> to vector<2000x8xf32>
    %swap3A_36 = arith.constant 0 : index
    %swap3A_37 = arith.constant 0 : index
    %swap3A_38 = vector.load %arg8[%swap3A_36, %swap3A_37] : memref<2000x8xf32, #tpu.memory_space<vmem>>, vector<2000x8xf32>
    tpu.vector_store %arg8[%swap3A_36, %swap3A_37], %broadcast_in_dim3A_35 {strides = array<i32>} : memref<2000x8xf32, #tpu.memory_space<vmem>>, vector<2000x8xf32>,
    return
  }
  func.func @transform_0(%arg0: i32) -> (i32, i32) {
    %c0_i32 = arith.constant 0 : i32
    %c0_i32_0 = arith.constant 0 : i32
    return %arg0, %c0_i32 : i32, i32
  }
  func.func @transform_1(%arg0: i32) -> (i32, i32) {
    %c0_i32 = arith.constant 0 : i32
    %c0_i32_0 = arith.constant 0 : i32
    return %arg0, %c0_i32 : i32, i32
  }
  func.func @transform_2(%arg0: i32) -> (i32, i32) {
    %c0_i32 = arith.constant 0 : i32
    %c0_i32_0 = arith.constant 0 : i32
    return %arg0, %c0_i32 : i32, i32
  }
  func.func @transform_3(%arg0: i32) -> (i32, i32) {
    %c0_i32 = arith.constant 0 : i32
    %c0_i32_0 = arith.constant 0 : i32
    %c0_i32_1 = arith.constant 0 : i32
    return %c0_i32, %c0_i32_0 : i32, i32
  }
  func.func @transform_4(%arg0: i32) -> (i32, i32) {
    %c0_i32 = arith.constant 0 : i32
    %c0_i32_0 = arith.constant 0 : i32
    %c0_i32_1 = arith.constant 0 : i32
    return %c0_i32, %c0_i32_0 : i32, i32
  }
  func.func @transform_5(%arg0: i32) -> (i32, i32) {
    %c0_i32 = arith.constant 0 : i32
    %c0_i32_0 = arith.constant 0 : i32
    %c0_i32_1 = arith.constant 0 : i32
    return %c0_i32, %c0_i32_0 : i32, i32
  }
  func.func @transform_6(%arg0: i32) -> (i32, i32) {
    %c0_i32 = arith.constant 0 : i32
    %c0_i32_0 = arith.constant 0 : i32
    return %arg0, %c0_i32 : i32, i32
  }
  func.func @transform_7(%arg0: i32) -> (i32, i32) {
    %c0_i32 = arith.constant 0 : i32
    %c0_i32_0 = arith.constant 0 : i32
    return %arg0, %c0_i32 : i32, i32
  }
}

module attributes {stable_mosaic.version = 14 : i64} {
  func.func @_tc_layer2(%arg0: i32, %arg1: memref<2000x128xf32, #tpu.memory_space<vmem>>, %arg2: memref<2000x72xf32, #tpu.memory_space<vmem>>, %arg3: memref<2000x72xf32, #tpu.memory_space<vmem>>, %arg4: memref<2000x8xf32, #tpu.memory_space<vmem>>, %arg5: memref<128x128xf32, #tpu.memory_space<vmem>>, %arg6: memref<128x128xf32, #tpu.memory_space<vmem>>, %arg7: memref<1x128xf32, #tpu.memory_space<vmem>>, %arg8: memref<128x128xf32, #tpu.memory_space<vmem>>, %arg9: memref<1x128xf32, #tpu.memory_space<vmem>>, %arg10: memref<128x16xf32, #tpu.memory_space<vmem>>, %arg11: memref<1x16xf32, #tpu.memory_space<vmem>>, %arg12: memref<2000x16xf32, #tpu.memory_space<vmem>>) attributes {dimension_semantics = [#tpu.dimension_semantics<arbitrary>], iteration_bounds = array<i64: 5>, scalar_prefetch = 0 : i64, scratch_operands = 0 : i64, tpu.core_type = #tpu.core_type<tc>, window_params = [{transform_indices = @transform_0, window_bounds = array<i64: 2000, 128>}, {transform_indices = @transform_1, window_bounds = array<i64: 2000, 72>}, {transform_indices = @transform_2, window_bounds = array<i64: 2000, 72>}, {transform_indices = @transform_3, window_bounds = array<i64: 2000, 8>}, {pipeline_mode = #tpu.pipeline_mode<synchronous>, transform_indices = @transform_4, window_bounds = array<i64: 128, 128>}, {pipeline_mode = #tpu.pipeline_mode<synchronous>, transform_indices = @transform_5, window_bounds = array<i64: 128, 128>}, {pipeline_mode = #tpu.pipeline_mode<synchronous>, transform_indices = @transform_6, window_bounds = array<i64: 1, 128>}, {pipeline_mode = #tpu.pipeline_mode<synchronous>, transform_indices = @transform_7, window_bounds = array<i64: 128, 128>}, {pipeline_mode = #tpu.pipeline_mode<synchronous>, transform_indices = @transform_8, window_bounds = array<i64: 1, 128>}, {pipeline_mode = #tpu.pipeline_mode<synchronous>, transform_indices = @transform_9, window_bounds = array<i64: 128, 16>}, {pipeline_mode = #tpu.pipeline_mode<synchronous>, transform_indices = @transform_10, window_bounds = array<i64: 1, 16>}, {transform_indices = @transform_11, window_bounds = array<i64: 2000, 16>}]} {
    %get3A = arith.constant 0 : index
    %get3A_0 = arith.constant 0 : index
    %get3A_1 = vector.load %arg4[%get3A, %get3A_0] : memref<2000x8xf32, #tpu.memory_space<vmem>>, vector<2000x8xf32>
    %slice3A = vector.extract_strided_slice %get3A_1 {offsets = [0, 0], sizes = [2000, 1], strides = [1, 1]} : vector<2000x8xf32> to vector<2000x1xf32>
    %get3A_2 = arith.constant 0 : index
    %get3A_3 = arith.constant 0 : index
    %get3A_4 = vector.load %arg2[%get3A_2, %get3A_3] : memref<2000x72xf32, #tpu.memory_space<vmem>>, vector<2000x72xf32>
    %get3A_5 = arith.constant 0 : index
    %get3A_6 = arith.constant 0 : index
    %get3A_7 = vector.load %arg3[%get3A_5, %get3A_6] : memref<2000x72xf32, #tpu.memory_space<vmem>>, vector<2000x72xf32>
    %slice3A_8 = vector.extract_strided_slice %get3A_7 {offsets = [0, 0], sizes = [2000, 56], strides = [1, 1]} : vector<2000x72xf32> to vector<2000x56xf32>
    %concatenate3A = tpu.concatenate %get3A_4, %slice3A_8 in 1 : vector<2000x72xf32>, vector<2000x56xf32> -> vector<2000x128xf32>
    %mul3A = vector.broadcast %slice3A : vector<2000x1xf32> to vector<2000x128xf32>
    %mul3A_9 = arith.mulf %concatenate3A, %mul3A : vector<2000x128xf32>
    %get3A_10 = arith.constant 0 : index
    %get3A_11 = arith.constant 0 : index
    %get3A_12 = vector.load %arg1[%get3A_10, %get3A_11] : memref<2000x128xf32, #tpu.memory_space<vmem>>, vector<2000x128xf32>
    %get3A_13 = arith.constant 0 : index
    %get3A_14 = arith.constant 0 : index
    %get3A_15 = vector.load %arg5[%get3A_13, %get3A_14] : memref<128x128xf32, #tpu.memory_space<vmem>>, vector<128x128xf32>
    %dot_general3A = arith.constant dense<0.000000e+00> : vector<2000x128xf32>
    %dot_general3A_16 = tpu.matmul %get3A_12, %get3A_15, %dot_general3A {dimension_numbers = #tpu.dot_dimension_numbers<[1], [0], [0], [1], [0, 0, 1, 1], [], []>, transpose_lhs_hint = false} : vector<2000x128xf32>, vector<128x128xf32>, vector<2000x128xf32> -> vector<2000x128xf32>
    %get3A_17 = arith.constant 0 : index
    %get3A_18 = arith.constant 0 : index
    %get3A_19 = vector.load %arg6[%get3A_17, %get3A_18] : memref<128x128xf32, #tpu.memory_space<vmem>>, vector<128x128xf32>
    %dot_general3A_20 = arith.constant dense<0.000000e+00> : vector<2000x128xf32>
    %dot_general3A_21 = tpu.matmul %mul3A_9, %get3A_19, %dot_general3A_20 {dimension_numbers = #tpu.dot_dimension_numbers<[1], [0], [0], [1], [0, 0, 1, 1], [], []>, transpose_lhs_hint = false} : vector<2000x128xf32>, vector<128x128xf32>, vector<2000x128xf32> -> vector<2000x128xf32>
    %add3A = arith.addf %dot_general3A_16, %dot_general3A_21 : vector<2000x128xf32>
    %get3A_22 = arith.constant 0 : index
    %get3A_23 = arith.constant 0 : index
    %get3A_24 = vector.load %arg7[%get3A_22, %get3A_23] : memref<1x128xf32, #tpu.memory_space<vmem>>, vector<1x128xf32>
    %add3A_25 = vector.broadcast %get3A_24 : vector<1x128xf32> to vector<2000x128xf32>
    %add3A_26 = arith.addf %add3A, %add3A_25 : vector<2000x128xf32>
    %max3A = arith.constant 0.000000e+00 : f32
    %max3A_27 = vector.broadcast %max3A : f32 to vector<2000x128xf32>
    %max3A_28 = arith.maximumf %add3A_26, %max3A_27 : vector<2000x128xf32>
    %get3A_29 = arith.constant 0 : index
    %get3A_30 = arith.constant 0 : index
    %get3A_31 = vector.load %arg8[%get3A_29, %get3A_30] : memref<128x128xf32, #tpu.memory_space<vmem>>, vector<128x128xf32>
    %dot_general3A_32 = arith.constant dense<0.000000e+00> : vector<2000x128xf32>
    %dot_general3A_33 = tpu.matmul %max3A_28, %get3A_31, %dot_general3A_32 {dimension_numbers = #tpu.dot_dimension_numbers<[1], [0], [0], [1], [0, 0, 1, 1], [], []>, transpose_lhs_hint = false} : vector<2000x128xf32>, vector<128x128xf32>, vector<2000x128xf32> -> vector<2000x128xf32>
    %get3A_34 = arith.constant 0 : index
    %get3A_35 = arith.constant 0 : index
    %get3A_36 = vector.load %arg9[%get3A_34, %get3A_35] : memref<1x128xf32, #tpu.memory_space<vmem>>, vector<1x128xf32>
    %add3A_37 = vector.broadcast %get3A_36 : vector<1x128xf32> to vector<2000x128xf32>
    %add3A_38 = arith.addf %dot_general3A_33, %add3A_37 : vector<2000x128xf32>
    %max3A_39 = arith.constant 0.000000e+00 : f32
    %max3A_40 = vector.broadcast %max3A_39 : f32 to vector<2000x128xf32>
    %max3A_41 = arith.maximumf %add3A_38, %max3A_40 : vector<2000x128xf32>
    %get3A_42 = arith.constant 0 : index
    %get3A_43 = arith.constant 0 : index
    %get3A_44 = vector.load %arg10[%get3A_42, %get3A_43] : memref<128x16xf32, #tpu.memory_space<vmem>>, vector<128x16xf32>
    %dot_general3A_45 = arith.constant dense<0.000000e+00> : vector<2000x16xf32>
    %dot_general3A_46 = tpu.matmul %max3A_41, %get3A_44, %dot_general3A_45 {dimension_numbers = #tpu.dot_dimension_numbers<[1], [0], [0], [1], [0, 0, 1, 1], [], []>, transpose_lhs_hint = false} : vector<2000x128xf32>, vector<128x16xf32>, vector<2000x16xf32> -> vector<2000x16xf32>
    %get3A_47 = arith.constant 0 : index
    %get3A_48 = arith.constant 0 : index
    %get3A_49 = vector.load %arg11[%get3A_47, %get3A_48] : memref<1x16xf32, #tpu.memory_space<vmem>>, vector<1x16xf32>
    %add3A_50 = vector.broadcast %get3A_49 : vector<1x16xf32> to vector<2000x16xf32>
    %add3A_51 = arith.addf %dot_general3A_46, %add3A_50 : vector<2000x16xf32>
    %swap3A = arith.constant 0 : index
    %swap3A_52 = arith.constant 0 : index
    %swap3A_53 = vector.load %arg12[%swap3A, %swap3A_52] : memref<2000x16xf32, #tpu.memory_space<vmem>>, vector<2000x16xf32>
    tpu.vector_store %arg12[%swap3A, %swap3A_52], %add3A_51 {strides = array<i32>} : memref<2000x16xf32, #tpu.memory_space<vmem>>, vector<2000x16xf32>,
    return
  }
  func.func @transform_0(%arg0: i32) -> (i32, i32) {
    %c0_i32 = arith.constant 0 : i32
    %c0_i32_0 = arith.constant 0 : i32
    return %arg0, %c0_i32 : i32, i32
  }
  func.func @transform_1(%arg0: i32) -> (i32, i32) {
    %c0_i32 = arith.constant 0 : i32
    %c0_i32_0 = arith.constant 0 : i32
    return %arg0, %c0_i32 : i32, i32
  }
  func.func @transform_2(%arg0: i32) -> (i32, i32) {
    %c0_i32 = arith.constant 0 : i32
    %c0_i32_0 = arith.constant 0 : i32
    return %arg0, %c0_i32 : i32, i32
  }
  func.func @transform_3(%arg0: i32) -> (i32, i32) {
    %c0_i32 = arith.constant 0 : i32
    %c0_i32_0 = arith.constant 0 : i32
    return %arg0, %c0_i32 : i32, i32
  }
  func.func @transform_4(%arg0: i32) -> (i32, i32) {
    %c0_i32 = arith.constant 0 : i32
    %c0_i32_0 = arith.constant 0 : i32
    %c0_i32_1 = arith.constant 0 : i32
    return %c0_i32, %c0_i32_0 : i32, i32
  }
  func.func @transform_5(%arg0: i32) -> (i32, i32) {
    %c0_i32 = arith.constant 0 : i32
    %c0_i32_0 = arith.constant 0 : i32
    %c0_i32_1 = arith.constant 0 : i32
    return %c0_i32, %c0_i32_0 : i32, i32
  }
  func.func @transform_6(%arg0: i32) -> (i32, i32) {
    %c0_i32 = arith.constant 0 : i32
    %c0_i32_0 = arith.constant 0 : i32
    %c0_i32_1 = arith.constant 0 : i32
    return %c0_i32, %c0_i32_0 : i32, i32
  }
  func.func @transform_7(%arg0: i32) -> (i32, i32) {
    %c0_i32 = arith.constant 0 : i32
    %c0_i32_0 = arith.constant 0 : i32
    %c0_i32_1 = arith.constant 0 : i32
    return %c0_i32, %c0_i32_0 : i32, i32
  }
  func.func @transform_8(%arg0: i32) -> (i32, i32) {
    %c0_i32 = arith.constant 0 : i32
    %c0_i32_0 = arith.constant 0 : i32
    %c0_i32_1 = arith.constant 0 : i32
    return %c0_i32, %c0_i32_0 : i32, i32
  }
  func.func @transform_9(%arg0: i32) -> (i32, i32) {
    %c0_i32 = arith.constant 0 : i32
    %c0_i32_0 = arith.constant 0 : i32
    %c0_i32_1 = arith.constant 0 : i32
    return %c0_i32, %c0_i32_0 : i32, i32
  }
  func.func @transform_10(%arg0: i32) -> (i32, i32) {
    %c0_i32 = arith.constant 0 : i32
    %c0_i32_0 = arith.constant 0 : i32
    %c0_i32_1 = arith.constant 0 : i32
    return %c0_i32, %c0_i32_0 : i32, i32
  }
  func.func @transform_11(%arg0: i32) -> (i32, i32) {
    %c0_i32 = arith.constant 0 : i32
    %c0_i32_0 = arith.constant 0 : i32
    return %arg0, %c0_i32 : i32, i32
  }
}

</mosaic_0001>

<sc_bundles>
// kernel: kernel.6.cloned.1.call-start
scs
__scs_entry_jumppad:
0x0: {  	(pc) =	sbr.rel $0x88, $3  }
0x1: {  	(tag) =	ssettag $0x0;
	lr =	simm.s32 $0x1  }
0x2: {  	[smem:$0x3F95] =	sst lr;
	_ =	strace $0xD0000000  }
0x3: {  	_ = 	snop  }
0x4: {  	_ = 	snop  }
0x5: {  	_ = 	snop  }
0x6: {  	_ = 	snop  }
0x7: {  	_ = 	snop  }
__scs_overlays_trampoline_lowered:
0x8: {  	[smem:$0x3FA4] =	sst s0  }
0x9: {  	[smem:$0x3FA5] =	sst s1  }
0xa: {  	[smem:$0x3FA6] =	sst s2  }
0xb: {  	[smem:$0x3FA7] =	sst s3  }
0xc: {  	[smem:$0x3FA8] =	sst s4  }
0xd: {  	[smem:$0x3FA9] =	sst s5  }
0xe: {  	[smem:$0x3FAA] =	sst s6  }
0xf: {  	[smem:$0x3FAB] =	sst s7  }
0x10: {  	[smem:$0x3FAC] =	sst s8  }
0x11: {  	[smem:$0x3FAD] =	sst s9;
	s0 =	simm.s32 @!p0 $0x0  }
0x12: {  	s1 =	sld [smem:$0x3F93];
	s0 =	simm.s32 @p0 $0x1  }
0x13: {  	[smem:$0x3FAE] =	sst s0;
	s0 =	simm.s32 @!p1 $0x0  }
0x14: {  	s2 =	sld [smem:$0x3F92];
	s0 =	simm.s32 @p1 $0x1  }
0x15: {  	[smem:$0x3FAF] =	sst s0;
	s0 =	simm.s32 @!p2 $0x0  }
0x16: {  	s3 =	sld [smem:$0x3FDB];
	s0 =	simm.s32 @p2 $0x1  }
0x17: {  	s4 =	simm.s32 $0x1BF5;
	[smem:$0x3FB1] =	sst s0  }
0x18: {  	s0 =	sld [smem:$0x3F94];
	_ =	swait.ge [sflag:s4], $0x0  }
0x19: {  	s7 =	sld [smem:$0x3F95]  }
0x1a: {  	s8 =	sadd.s32 $0xFFFFE003, lr  }
0x1b: {  	s9 =	sadd.s32 $0xFFFFFEF7, lr;
	s5 =	simm.s32 $0xFFFFFFFF;
	p2 =	slt.u32 s8, $0xFFFFF086  }
0x1c: {  	p1 =	slt.u32 s9, $0xF7A;
	s5 =	simm.s32 @!p2 $0x0  }
0x1d: {  	s5 =	simm.s32 @p1 $0x1;
	p0 =	seq.s32 s7, s2  }
0x1e: {  	s7 =	smul.u32 @!p0 $0xF7A, s2;
	p2 =	seq.s32 @!p0 s5, $0x0  }
0x1f: {  	s9 =	smul.u32 $0xF7A, s1;
	s8 =	simm.s32 @!p0 $0x1BF5;
	p2 =	por !p2, p0  }
0x20: {  	[sflag:s8] =	ssyncset.s32 @!p0 $0xFFFFF086;
	s6 =	sadd.s32 @!p0 s3, s7;
	s7 =	simm.s32 @!p0 $0x108  }
0x21: {  	s3 =	sadd.s32 s3, s9;
	s6 =	sadd.s32 @!p0 $0x88, s6;
	s7 =	simm.s32 @p2 $0x1082  }
0x22: {  	[simem:s7], [sflag:s8] =	dma.local @!p0 [hbm:s6], $0xF7A  }
0x23: {  	s9 =	sor.u32 $0xD0000000, s2;
	s6 =	simm.s32 $0x108;
	_ =	swait.ge @!p0 [sflag:s8], $0x0  }
0x24: {  	s3 =	sadd.s32 $0x88, s3;
	s6 =	simm.s32 @!p1 $0x1082;
	[sflag:s4] =	ssyncset.s32 $0xFFFFF086  }
0x25: {  	[simem:s6], [sflag:s4] =	dma.local [hbm:s3], $0xF7A  }
0x26: {  	[smem:$0x3F95] =	sst s1;
	(tag) =	ssettag s2;
	_ =	strace s9  }
0x27: {  	s1 =	sld [smem:$0x3FA5]  }
0x28: {  	s2 =	sld [smem:$0x3FA6]  }
0x29: {  	s4 =	sld [smem:$0x3FA8]  }
0x2a: {  	p0 =	seq.s32 s5, $0x0;
	s5 =	sld [smem:$0x3FA9]  }
0x2b: {  	s6 =	sld [smem:$0x3FAA]  }
0x2c: {  	s7 =	sld [smem:$0x3FAB]  }
0x2d: {  	s3 =	simm.s32 $0x108;
	s8 =	sld [smem:$0x3FAC]  }
0x2e: {  	s3 =	simm.s32 @!p0 $0x1082;
	s9 =	sld [smem:$0x3FAD]  }
0x2f: {  	lr =	sadd.s32 s0, s3;
	s0 =	sld [smem:$0x3FA4]  }
0x30: {  	s3 =	sld [smem:$0x3FA7]  }
0x31: {  	[smem:$0x3FB0] =	sst s10  }
0x32: {  	s10 =	sld [smem:$0x3FAE];
	_ =	sdelay $0x3  }
0x33: {  	p0 =	seq.s32 s10, $0x1;
	s10 =	sld [smem:$0x3FB0];
	_ =	sdelay $0x3  }
0x34: {  	[smem:$0x3FB0] =	sst s10  }
0x35: {  	s10 =	sld [smem:$0x3FAF];
	_ =	sdelay $0x3  }
0x36: {  	p1 =	seq.s32 s10, $0x1;
	s10 =	sld [smem:$0x3FB0];
	_ =	sdelay $0x3  }
0x37: {  	[smem:$0x3FB0] =	sst s10  }
0x38: {  	s10 =	sld [smem:$0x3FB1]  }
0x39: {  	_ = 	snop;
	(pc) =	sbr.ind lr, $3  }
0x3a: {  	_ = 	snop  }
0x3b: {  	_ = 	snop  }
0x3c: {  	p2 =	seq.s32 s10, $0x1;
	s10 =	sld [smem:$0x3FB0]  }
0x3d: {  	_ =	shalt  }
0x3e: {  	_ =	shalt  }
0x3f: {  	_ =	shalt  }
0x40: {  	_ =	shalt  }
0x41: {  	_ =	shalt  }
0x42: {  	_ =	shalt  }
0x43: {  	_ =	shalt  }
0x44: {  	_ =	shalt  }
0x45: {  	_ =	shalt  }
0x46: {  	_ =	shalt  }
0x47: {  	_ =	shalt  }
0x48: {  	_ =	shalt  }
0x49: {  	_ =	shalt  }
0x4a: {  	_ =	shalt  }
0x4b: {  	_ =	shalt  }
0x4c: {  	_ =	shalt  }
0x4d: {  	_ =	shalt  }
0x4e: {  	_ =	shalt  }
0x4f: {  	_ =	shalt  }
0x50: {  	_ =	shalt  }
0x51: {  	_ =	shalt  }
0x52: {  	_ =	shalt  }
0x53: {  	_ =	shalt  }
0x54: {  	_ =	shalt  }
0x55: {  	_ =	shalt  }
0x56: {  	_ =	shalt  }
0x57: {  	_ =	shalt  }
0x58: {  	_ =	shalt  }
0x59: {  	_ =	shalt  }
0x5a: {  	_ =	shalt  }
0x5b: {  	_ =	shalt  }
0x5c: {  	_ =	shalt  }
0x5d: {  	_ =	shalt  }
0x5e: {  	_ =	shalt  }
0x5f: {  	_ =	shalt  }
0x60: {  	_ =	shalt  }
0x61: {  	_ =	shalt  }
0x62: {  	_ =	shalt  }
0x63: {  	_ =	shalt  }
0x64: {  	_ =	shalt  }
0x65: {  	_ =	shalt  }
0x66: {  	_ =	shalt  }
0x67: {  	_ =	shalt  }
0x68: {  	_ =	shalt  }
0x69: {  	_ =	shalt  }
0x6a: {  	_ =	shalt  }
0x6b: {  	_ =	shalt  }
0x6c: {  	_ =	shalt  }
0x6d: {  	_ =	shalt  }
0x6e: {  	_ =	shalt  }
0x6f: {  	_ =	shalt  }
0x70: {  	_ =	shalt  }
0x71: {  	_ =	shalt  }
0x72: {  	_ =	shalt  }
0x73: {  	_ =	shalt  }
0x74: {  	_ =	shalt  }
0x75: {  	_ =	shalt  }
0x76: {  	_ =	shalt  }
0x77: {  	_ =	shalt  }
0x78: {  	_ =	shalt  }
0x79: {  	_ =	shalt  }
0x7a: {  	_ =	shalt  }
0x7b: {  	_ =	shalt  }
0x7c: {  	_ =	shalt  }
0x7d: {  	_ =	shalt  }
0x7e: {  	_ =	shalt  }
0x7f: {  	_ =	shalt  }
0x80: {  	_ =	shalt  }
0x81: {  	_ =	shalt  }
0x82: {  	_ =	shalt  }
0x83: {  	_ =	shalt  }
0x84: {  	_ =	shalt  }
0x85: {  	_ =	shalt  }
0x86: {  	_ =	shalt  }
0x87: {  	_ =	shalt  }
.Lfunc_end0:
.L_simem_size_0:
called_computation_lowered:
.L_overlay_start_0:
0x88: {  	s2 =	sld [smem:$0x3FD9]  }
0x89: {  	s3 =	sld [smem:$0x3FFE];
	_ =	sdelay $0x1  }
0x8a: {  	s1 =	srdreg.scid  }
0x8b: {  	s0 =	sand.u32 $0x1, s1  }
0x8c: {  	s17 =	sshll.u32 s0, $0xA;
	s2 =	sadd.s32 s3, s2  }
0x8d: {  	s2 =	sadd.s32 s2, s17  }
0x8e: {  	[smem:$0x3FBC] =	sst s2  }
0x8f: {  	_ = 	snop  }
0x90: {  	s2 =	sld [smem:$0x3FD0];
	(tm) =	ssettm $0x1  }
0x91: {  	s18 =	sld [smem:$0x3FFB];
	_ =	sdelay $0x3  }
0x92: {  	_ =	strace s18  }
0x93: {  	s3 =	sld [smem:$0x3FFC];
	_ =	sdelay $0x3  }
0x94: {  	_ =	strace s3  }
0x95: {  	s3 =	sld [smem:$0x3FFD];
	_ =	sdelay $0x3  }
0x96: {  	_ =	strace s3  }
0x97: {  	_ =	strace $0x8FFFFFFF  }
0x98: {  	s19 =	sld [smem:$0x3FDB];
	_ =	sdelay $0x1  }
0x99: {  	s4 =	simm.s32 $_scs_section_size  }
0x9a: {  	s5 =	simm.s32 $_size__tile_overlayer_lowered;
	s6 =	simm.s32 $_tile_overlayer_lowered  }
0x9b: {  	s22 =	simm.s32 $0x1BFF;
	s21 =	sshll.u32 s6, $0x1;
	s3 =	sadd.s32 s4, s19  }
0x9c: {  	s7 =	simm.s32 $0x0;
	s20 =	sshll.u32 s5, $0x1;
	s5 =	sadd.s32 s21, s3  }
0x9d: {  	[timem:s7], [sflag:s22] =	dma.local [hbm:s5], s20  }
0x9e: {  	_ =	swait.ge [sflag:s22], s20  }
0x9f: {  	s4 =	ssub.s32 $0x0, s20;
	[sflag:s22] =	ssyncset.done $0x0  }
0xa0: {  	[sflag:s22] =	ssyncadd.s32 s4;
	_ =	sdelay $0x1  }
0xa1: {  	s23 =	simm.s32 $0x1B8B  }
0xa2: {  	_ =	swait.ge [sflag:s23], $0x1  }
0xa3: {  	[sflag:s23] =	ssyncset.done $0x0  }
0xa4: {  	s25 =	simm.s32 $0x1B8E;
	s24 =	sld [smem:$0x3FFE];
	[sflag:s23] =	ssyncadd.s32 $0xFFFFFFFF  }
0xa5: {  	s26 =	simm.s32 $execute0_lowered;
	[smem:$0x3FD2] =	sst s25  }
0xa6: {  	s5 =	sshll.u32 s26, $0x1;
	_ =	strace $0x80000046;
	[dreg:$0x1] =	wrdreg $0xFFFFFFFF  }
0xa7: {  	s28 =	simm.s32 $_size_execute0_lowered;
	s3 =	sadd.s32 s3, s5;
	[dreg:$0x0] =	wrdreg $0x0  }
0xa8: {  	s5 =	sshll.u32 s28, $0x1;
	[dreg:$0x2] =	wrdreg s3  }
0xa9: {  	[dreg:$0x3] =	wrdreg s5  }
0xaa: {  	[dreg:$0x4] =	wrdreg $0xC0  }
0xab: {  	_ =	task [dreg:s7], $0x5FFFF  }
0xac: {  	[dreg:$0x1] =	wrdreg $0xFFFFFFFF  }
0xad: {  	[dreg:$0x0] =	wrdreg $0x60  }
0xae: {  	[dreg:$0x2] =	wrdreg s24  }
0xaf: {  	[dreg:$0x3] =	wrdreg s2  }
0xb0: {  	[dreg:$0x4] =	wrdreg $0x130000  }
0xb1: {  	[dreg:$0x5] =	wrdreg $0x9  }
0xb2: {  	_ =	task.clear_ibuf [dreg:s7], $0x6FFFF;
	_ =	strace $0x90000046  }
0xb3: {  	s29 =	simm.s32 $0x9;
	_ =	strace $0x80000048  }
0xb4: {  	_ =	swait.ge [sflag:s29], $0x1  }
0xb5: {  	[sflag:s29] =	ssyncadd.s32 $0xFFFFFFFF  }
0xb6: {  	_ =	strace $0x90000048  }
0xb7: {  	_ =	sfence  }
0xb8: {  	s30 =	sld [smem:$0x0];
	_ =	sdelay $0x2  }
0xb9: {  	s31 =	sshll.u32 s1, $0xD;
	s1 =	sshrl.u32 s1, $0x2  }
0xba: {  	s3 =	sand.u32 $0x4000, s31;
	s1 =	sadd.s32 s1, s30  }
0xbb: {  	s0 =	sor.u32 s3, s0;
	s1 =	sshll.u32 s1, $0x11  }
0xbc: {  	s0 =	sor.u32 s1, s0  }
0xbd: {  	s0 =	sadd.s32 $0x8F2B, s0  }
0xbe: {  	[sflag:s0] =	ssyncadd.remote.s32 $0x1  }
0xbf: {  	_ =	sfence.sel $0xFFFF  }
0xc0: {  	[dreg:$0x0] =	wrdreg $0xFFFFFFFF;
	(pc) =	sbr.abs _section_cstart, $3  }
0xc1: {  	[dreg:$0x1] =	wrdreg $0xFFFFFFFF  }
0xc2: {  	_ =	task.clear_ibuf [dreg:s7], $0x2FFFF;
	_ =	strace $0x9FFFFFFF  }
0xc3: {  	(tm) =	ssettm $0x7FFFFFFF  }
tec
execute0_lowered:
.L_overlay_start_1:
0x0: {  	(tag) =	ssettag $0x1  }
0x1: {  	s1 =	rddreg [dreg:$0x0]  }
0x2: {  	s0 =	srdreg.scid;
	s2 =	rddreg [dreg:$0x1]  }
0x3: {  	s23 =	stileid.u32;
	s3 =	rddreg [dreg:$0x2];
	s4 =	simm.s32 $0x0  }
0x4: {  	s13 =	simm.s32 $0x5000;
	s14 =	simm.s32 $0x80;
	s15 =	simm.s32 $0xA000  }
0x5: {  	s16 =	simm.s32 $0xC400;
	s17 =	simm.s32 $0x100;
	s18 =	simm.s32 $0xE800  }
0x6: {  	s19 =	simm.s32 $0x180;
	s20 =	simm.s32 $0x10C00;
	s21 =	simm.s32 $0x1  }
0x7: {  	s22 =	simm.s32 $0x2;
	s28 =	simm.s32 $0x9F00;
	s7 =	smul.u32 $0xAFC8, s23  }
0x8: {  	s29 =	simm.s32 $0x9F80;
	s5 =	sand.u32 $0x1, s0;
	s9 =	smul.u32 $0xA00, s23  }
0x9: {  	s30 =	simm.s32 $0x0;
	[smem:$0x7FF] =	sst s4;
	s6 =	smul.u32 $0x15F99, s5  }
0xa: {  	s31 =	sshll.u32 s23, $0x6;
	s23 =	simm.s32 $0x3;
	s8 =	smul.u32 $0xAFC80, s5  }
0xb: {  	_ =	strace $0x80000047;
	s5 =	ssub.s32 $0x2, s5;
	s25 =	sadd.s32 s9, s1  }
0xc: {  	s26 =	sshrl.u32 s5, $0x1;
	s12 =	sadd.s32 s7, s3;
	s10 =	sadd.s32 s6, s1  }
0xd: {  	s24 =	sadd.s32 s7, s8;
	s11 =	ssub.s32 s5, s26;
	s5 =	sor.u32 $0x1C05, s31  }
0xe: {  	s7 =	sadd.s32 $0x38800, s25;
	s26 =	simm.s32 $0x9E80;
	s6 =	sshrl.u32 s24, $0x3  }
0xf: {  	s8 =	sadd.s32 $0x2800, s10;
	s10 =	smax.u32 s11, $0x1;
	s11 =	sshrl.u32 s12, $0x3  }
0x10: {  	s12 =	simm.s32 $0x5;
	s24 =	simm.s32 $0x4;
	s1 =	sadd.s32 s6, s1  }
0x11: {  	s6 =	sadd.s32 $0x2E800, s25;
	s25 =	simm.s32 $0x9E00;
	s9 =	sadd.s32 $0x42800, s1  }
.LBB2_1:
0x12: {  	[spmem:s11], [sflag:s5] =	dma.local [hbm:s2], $0x15F9  }
0x13: {  	_ =	swait.ge [sflag:s12], $0x15F9  }
0x14: {  	[sflag:s12] =	ssyncset.done $0x0  }
0x15: {  	[sflag:s12] =	ssyncadd.s32 $0xFFFFEA07  }
0x16: {  	[bflag:$0x0] =	sbarrier.arrive $0xFFFF  }
0x17: {  	[tilespmem:s4], [sflag:$0x5] =	stream.linear.gather [hbm4b:s6+s4], $0x5000, $0x38;
	[tilespmem:$0x1DFC8] =	vst v63  }
0x18: {  	_ =	swait.ge [sflag:s12], $0x5000  }
0x19: {  	[sflag:s12] =	ssyncset.done $0x0  }
0x1a: {  	[sflag:s12] =	ssyncadd.s32 $0xFFFFB000  }
0x1b: {  	[tilespmem:s13], [sflag:$0x5] =	stream.linear.gather [hbm4b:s7+s4], $0x5000, $0x38;
	[tilespmem:$0x1DFC8] =	vst v63  }
0x1c: {  	_ =	swait.ge [sflag:s12], $0x5000  }
0x1d: {  	[sflag:s12] =	ssyncset.done $0x0  }
0x1e: {  	[sflag:s12] =	ssyncadd.s32 $0xFFFFB000  }
0x1f: {  	[tilespmem:s15], [sflag:$0x1] =	stream.indirect.gather [hbm4b:s8+s14], $0x48, s4, s14, $0xb8;
	[tilespmem:$0x1DFC8] =	vst v63  }
0x20: {  	_ = 	snop  }
0x21: {  	[tilespmem:s16], [sflag:$0x2] =	stream.indirect.gather [hbm4b:s8+s14], $0x48, s14, s14, $0xb8;
	[tilespmem:$0x1DFC8] =	vst v63  }
0x22: {  	_ = 	snop  }
0x23: {  	[tilespmem:s18], [sflag:$0x3] =	stream.indirect.gather [hbm4b:s8+s14], $0x48, s17, s14, $0xb8;
	[tilespmem:$0x1DFC8] =	vst v63  }
0x24: {  	_ = 	snop  }
0x25: {  	[tilespmem:s20], [sflag:$0x4] =	stream.indirect.gather [hbm4b:s8+s14], $0x48, s19, s14, $0xb8;
	[tilespmem:$0x1DFC8] =	vst v63  }
0x26: {  	_ =	swait.ge [sflag:s21], $0x2400  }
0x27: {  	[sflag:s21] =	ssyncset.done $0x0  }
0x28: {  	s1 =	simm.s32 $0x5000;
	[sflag:s21] =	ssyncadd.s32 $0xFFFFDC00  }
0x29: {  	[spmem:s3] =	stream.indirect.scatter.add.f32 [tilespmem:s15], [sflag:$0x5], $0x48, s1, s14, $0xb8;
	[tilespmem:$0x1DFC8] =	vst v63  }
0x2a: {  	_ =	swait.ge [sflag:s12], $0x2400  }
0x2b: {  	[sflag:s12] =	ssyncset.done $0x0  }
0x2c: {  	s0 =	simm.s32 $0x200;
	[sflag:s12] =	ssyncadd.s32 $0xFFFFDC00  }
0x2d: {  	[tilespmem:s15], [sflag:$0x1] =	stream.indirect.gather [hbm4b:s8+s14], $0x48, s0, s14, $0xb8;
	[tilespmem:$0x1DFC8] =	vst v63  }
0x2e: {  	_ =	swait.ge [sflag:s22], $0x2400  }
0x2f: {  	[sflag:s22] =	ssyncset.done $0x0  }
0x30: {  	s0 =	simm.s32 $0x5080;
	[sflag:s22] =	ssyncadd.s32 $0xFFFFDC00  }
0x31: {  	[spmem:s3] =	stream.indirect.scatter.add.f32 [tilespmem:s16], [sflag:$0x5], $0x48, s0, s14, $0xb8;
	[tilespmem:$0x1DFC8] =	vst v63  }
0x32: {  	_ =	swait.ge [sflag:s12], $0x2400  }
0x33: {  	[sflag:s12] =	ssyncset.done $0x0  }
0x34: {  	s0 =	simm.s32 $0x280;
	[sflag:s12] =	ssyncadd.s32 $0xFFFFDC00  }
0x35: {  	[tilespmem:s16], [sflag:$0x2] =	stream.indirect.gather [hbm4b:s8+s14], $0x48, s0, s14, $0xb8;
	[tilespmem:$0x1DFC8] =	vst v63  }
0x36: {  	_ =	swait.ge [sflag:s23], $0x2400  }
0x37: {  	[sflag:s23] =	ssyncset.done $0x0  }
0x38: {  	s0 =	simm.s32 $0x5100;
	[sflag:s23] =	ssyncadd.s32 $0xFFFFDC00  }
0x39: {  	[spmem:s3] =	stream.indirect.scatter.add.f32 [tilespmem:s18], [sflag:$0x5], $0x48, s0, s14, $0xb8;
	[tilespmem:$0x1DFC8] =	vst v63  }
0x3a: {  	_ =	swait.ge [sflag:s12], $0x2400  }
0x3b: {  	[sflag:s12] =	ssyncset.done $0x0  }
0x3c: {  	s0 =	simm.s32 $0x300;
	[sflag:s12] =	ssyncadd.s32 $0xFFFFDC00  }
0x3d: {  	[tilespmem:s18], [sflag:$0x3] =	stream.indirect.gather [hbm4b:s8+s14], $0x48, s0, s14, $0xb8;
	[tilespmem:$0x1DFC8] =	vst v63  }
0x3e: {  	_ =	swait.ge [sflag:s24], $0x2400  }
0x3f: {  	[sflag:s24] =	ssyncset.done $0x0  }
0x40: {  	s0 =	simm.s32 $0x5180;
	[sflag:s24] =	ssyncadd.s32 $0xFFFFDC00  }
0x41: {  	[spmem:s3] =	stream.indirect.scatter.add.f32 [tilespmem:s20], [sflag:$0x5], $0x48, s0, s14, $0xb8;
	[tilespmem:$0x1DFC8] =	vst v63  }
0x42: {  	_ =	swait.ge [sflag:s12], $0x2400  }
0x43: {  	[sflag:s12] =	ssyncset.done $0x0  }
0x44: {  	s31 =	simm.s32 $0x800;
	s1 =	simm.s32 $0x380;
	[sflag:s12] =	ssyncadd.s32 $0xFFFFDC00  }
.LBB2_2:
0x45: {  	[tilespmem:s20], [sflag:$0x4] =	stream.indirect.gather [hbm4b:s8+s14], $0x48, s1, s14, $0xb8;
	[tilespmem:$0x1DFC8] =	vst v63  }
0x46: {  	s1 =	smov.u32 s31  }
0x47: {  	p0 =	sne.s32 s31, $0x13000;
	s31 =	sadd.s32 $0x800, s31;
	_ =	swait.ge [sflag:s21], $0x2400  }
0x48: {  	s1 =	sshra.s32 s1, $0x2;
	[sflag:s21] =	ssyncset.done $0x0  }
0x49: {  	s0 =	sadd.s32 $0x5000, s1;
	[sflag:s21] =	ssyncadd.s32 $0xFFFFDC00  }
0x4a: {  	[spmem:s3] =	stream.indirect.scatter.add.f32 [tilespmem:s15], [sflag:$0x5], $0x48, s0, s14, $0xb8;
	[tilespmem:$0x1DFC8] =	vst v63  }
0x4b: {  	_ =	swait.ge [sflag:s12], $0x2400  }
0x4c: {  	[sflag:s12] =	ssyncset.done $0x0  }
0x4d: {  	s0 =	sadd.s32 $0x200, s1;
	[sflag:s12] =	ssyncadd.s32 $0xFFFFDC00  }
0x4e: {  	[tilespmem:s15], [sflag:$0x1] =	stream.indirect.gather [hbm4b:s8+s14], $0x48, s0, s14, $0xb8;
	[tilespmem:$0x1DFC8] =	vst v63  }
0x4f: {  	_ =	swait.ge [sflag:s22], $0x2400  }
0x50: {  	[sflag:s22] =	ssyncset.done $0x0  }
0x51: {  	s0 =	sadd.s32 $0x5080, s1;
	[sflag:s22] =	ssyncadd.s32 $0xFFFFDC00  }
0x52: {  	[spmem:s3] =	stream.indirect.scatter.add.f32 [tilespmem:s16], [sflag:$0x5], $0x48, s0, s14, $0xb8;
	[tilespmem:$0x1DFC8] =	vst v63  }
0x53: {  	_ =	swait.ge [sflag:s12], $0x2400  }
0x54: {  	[sflag:s12] =	ssyncset.done $0x0  }
0x55: {  	s0 =	sadd.s32 $0x280, s1;
	[sflag:s12] =	ssyncadd.s32 $0xFFFFDC00  }
0x56: {  	[tilespmem:s16], [sflag:$0x2] =	stream.indirect.gather [hbm4b:s8+s14], $0x48, s0, s14, $0xb8;
	[tilespmem:$0x1DFC8] =	vst v63  }
0x57: {  	_ =	swait.ge [sflag:s23], $0x2400  }
0x58: {  	[sflag:s23] =	ssyncset.done $0x0  }
0x59: {  	s0 =	sadd.s32 $0x5100, s1;
	[sflag:s23] =	ssyncadd.s32 $0xFFFFDC00  }
0x5a: {  	[spmem:s3] =	stream.indirect.scatter.add.f32 [tilespmem:s18], [sflag:$0x5], $0x48, s0, s14, $0xb8;
	[tilespmem:$0x1DFC8] =	vst v63  }
0x5b: {  	_ =	swait.ge [sflag:s12], $0x2400  }
0x5c: {  	[sflag:s12] =	ssyncset.done $0x0  }
0x5d: {  	s0 =	sadd.s32 $0x300, s1;
	[sflag:s12] =	ssyncadd.s32 $0xFFFFDC00  }
0x5e: {  	[tilespmem:s18], [sflag:$0x3] =	stream.indirect.gather [hbm4b:s8+s14], $0x48, s0, s14, $0xb8;
	[tilespmem:$0x1DFC8] =	vst v63  }
0x5f: {  	_ =	swait.ge [sflag:s24], $0x2400  }
0x60: {  	[sflag:s24] =	ssyncset.done $0x0  }
.Ltmp0:
0x61: {  	s0 =	sadd.s32 $0x5180, s1;
	[sflag:s24] =	ssyncadd.s32 $0xFFFFDC00;
	(pc) =	sbr.rel @p0 .LBB2_2-.Ltmp0, $4  }
0x62: {  	[spmem:s3] =	stream.indirect.scatter.add.f32 [tilespmem:s20], [sflag:$0x5], $0x48, s0, s14, $0xb8;
	[tilespmem:$0x1DFC8] =	vst v63  }
0x63: {  	_ =	swait.ge [sflag:s12], $0x2400  }
0x64: {  	[sflag:s12] =	ssyncset.done $0x0  }
0x65: {  	s1 =	sadd.s32 $0x380, s1;
	[sflag:s12] =	ssyncadd.s32 $0xFFFFDC00  }
0x66: {  	[tilespmem:s20], [sflag:$0x4] =	stream.indirect.gather [hbm4b:s8+s14], $0x48, s1, s14, $0xb8;
	[tilespmem:$0x1DFC8] =	vst v63  }
0x67: {  	_ =	swait.ge [sflag:s21], $0x2400  }
0x68: {  	[sflag:s21] =	ssyncset.done $0x0  }
0x69: {  	[sflag:s21] =	ssyncadd.s32 $0xFFFFDC00  }
0x6a: {  	[spmem:s3] =	stream.indirect.scatter.add.f32 [tilespmem:s15], [sflag:$0x5], $0x48, s25, s14, $0xb8;
	[tilespmem:$0x1DFC8] =	vst v63  }
0x6b: {  	_ =	swait.ge [sflag:s12], $0x2400  }
0x6c: {  	[sflag:s12] =	ssyncset.done $0x0  }
0x6d: {  	[sflag:s12] =	ssyncadd.s32 $0xFFFFDC00  }
0x6e: {  	_ =	swait.ge [sflag:s22], $0x2400  }
0x6f: {  	[sflag:s22] =	ssyncset.done $0x0  }
0x70: {  	[sflag:s22] =	ssyncadd.s32 $0xFFFFDC00  }
0x71: {  	[spmem:s3] =	stream.indirect.scatter.add.f32 [tilespmem:s16], [sflag:$0x5], $0x48, s26, s14, $0xb8;
	[tilespmem:$0x1DFC8] =	vst v63  }
0x72: {  	_ =	swait.ge [sflag:s12], $0x2400  }
0x73: {  	[sflag:s12] =	ssyncset.done $0x0  }
0x74: {  	[sflag:s12] =	ssyncadd.s32 $0xFFFFDC00  }
0x75: {  	_ =	swait.ge [sflag:s23], $0x2400  }
0x76: {  	[sflag:s23] =	ssyncset.done $0x0  }
0x77: {  	[sflag:s23] =	ssyncadd.s32 $0xFFFFDC00  }
0x78: {  	[spmem:s3] =	stream.indirect.scatter.add.f32 [tilespmem:s18], [sflag:$0x5], $0x48, s28, s14, $0xb8;
	[tilespmem:$0x1DFC8] =	vst v63  }
0x79: {  	_ =	swait.ge [sflag:s12], $0x2400  }
0x7a: {  	[sflag:s12] =	ssyncset.done $0x0  }
0x7b: {  	[sflag:s12] =	ssyncadd.s32 $0xFFFFDC00  }
0x7c: {  	_ =	swait.ge [sflag:s24], $0x2400  }
0x7d: {  	[sflag:s24] =	ssyncset.done $0x0  }
0x7e: {  	[sflag:s24] =	ssyncadd.s32 $0xFFFFDC00  }
0x7f: {  	[spmem:s3] =	stream.indirect.scatter.add.f32 [tilespmem:s20], [sflag:$0x5], $0x48, s29, s14, $0xb8;
	[tilespmem:$0x1DFC8] =	vst v63  }
0x80: {  	_ =	swait.ge [sflag:s12], $0x2400  }
0x81: {  	s30 =	sadd.s32 $0x1, s30;
	[sflag:s12] =	ssyncset.done $0x0  }
0x82: {  	p0 =	sne.s32 s30, s10;
	[sflag:s12] =	ssyncadd.s32 $0xFFFFDC00  }
.Ltmp1:
0x83: {  	[bflag:$0x0] =	sbarrier.arrive $0xFFFF;
	(pc) =	sbr.rel @p0 .LBB2_1-.Ltmp1, $4  }
0x84: {  	[hbm:s9], [sflag:s5] =	dma.local [spmem:s11], $0x15F9  }
0x85: {  	_ =	swait.ge [sflag:s12], $0x15F9  }
0x86: {  	[sflag:s12] =	ssyncset.done $0x0  }
0x87: {  	[sflag:s12] =	ssyncadd.s32 $0xFFFFEA07  }
0x88: {  	_ =	sfence.sel $0x180000  }
0x89: {  	[bflag:$0x0] =	sbarrier.arrive $0xFFFF  }
0x8a: {  	_ =	strace $0x90000047  }
0x8b: {  	s0 =	stileid.u32;
	[bflag:$0x2] =	sbarrier.arrive $0xFFFF  }
0x8c: {  	p0 =	sne.s32 s0, $0x0;
	s0 =	rddreg [dreg:$0x3]  }
0x8d: {  	s0 =	sadd.s32 @!p0 $0x100000, s0  }
0x8e: {  	[sflag:s0] =	ssyncadd.tile.s32 @!p0 $0x1;
	_ =	shalt  }
.Lfunc_end2:
_tile_overlayer_lowered:
.L_overlay_start_2:
0x8f: {  	(tag) =	ssettag $0x2  }
0x90: {  	s0 =	rddreg [dreg:$0x0];
	s2 =	stileid.u32  }
0x91: {  	s1 =	rddreg [dreg:$0x1];
	p0 =	sne.s32 s2, $0x0  }
0x92: {  	s3 =	rddreg [dreg:$0x2];
	[bflag:$0x3] =	sbarrier.arrive $0xFFFF;
	s2 =	simm.s32 @!p0 $0x1C05  }
0x93: {  	[timem:s3], [sflag:s2] =	dma.local @!p0 [hbm:s0], s1  }
0x94: {  	s0 =	simm.s32 @!p0 $0x5  }
0x95: {  	_ =	swait.ge @!p0 [sflag:s0], s1  }
0x96: {  	s1 =	ssub.s32 @!p0 $0x0, s1;
	[sflag:s0] =	ssyncset.done @!p0 $0x0  }
0x97: {  	[sflag:s0] =	ssyncadd.s32 @!p0 s1  }
0x98: {  	[bflag:$0x3] =	sbarrier.arrive $0xFFFF  }
0x99: {  	_ =	shalt  }

// kernel: kernel.9.cloned.1.call-start
scs
__scs_entry_jumppad:
0x0: {  	(pc) =	sbr.rel $0x88, $3  }
0x1: {  	(tag) =	ssettag $0x0;
	lr =	simm.s32 $0x1  }
0x2: {  	[smem:$0x3F95] =	sst lr;
	_ =	strace $0xD0000000  }
0x3: {  	_ = 	snop  }
0x4: {  	_ = 	snop  }
0x5: {  	_ = 	snop  }
0x6: {  	_ = 	snop  }
0x7: {  	_ = 	snop  }
__scs_overlays_trampoline_lowered:
0x8: {  	[smem:$0x3FA4] =	sst s0  }
0x9: {  	[smem:$0x3FA5] =	sst s1  }
0xa: {  	[smem:$0x3FA6] =	sst s2  }
0xb: {  	[smem:$0x3FA7] =	sst s3  }
0xc: {  	[smem:$0x3FA8] =	sst s4  }
0xd: {  	[smem:$0x3FA9] =	sst s5  }
0xe: {  	[smem:$0x3FAA] =	sst s6  }
0xf: {  	[smem:$0x3FAB] =	sst s7  }
0x10: {  	[smem:$0x3FAC] =	sst s8  }
0x11: {  	[smem:$0x3FAD] =	sst s9;
	s0 =	simm.s32 @!p0 $0x0  }
0x12: {  	s1 =	sld [smem:$0x3F93];
	s0 =	simm.s32 @p0 $0x1  }
0x13: {  	[smem:$0x3FAE] =	sst s0;
	s0 =	simm.s32 @!p1 $0x0  }
0x14: {  	s2 =	sld [smem:$0x3F92];
	s0 =	simm.s32 @p1 $0x1  }
0x15: {  	[smem:$0x3FAF] =	sst s0;
	s0 =	simm.s32 @!p2 $0x0  }
0x16: {  	s3 =	sld [smem:$0x3FDB];
	s0 =	simm.s32 @p2 $0x1  }
0x17: {  	s4 =	simm.s32 $0x1BF5;
	[smem:$0x3FB1] =	sst s0  }
0x18: {  	s0 =	sld [smem:$0x3F94];
	_ =	swait.ge [sflag:s4], $0x0  }
0x19: {  	s7 =	sld [smem:$0x3F95]  }
0x1a: {  	s8 =	sadd.s32 $0xFFFFE003, lr  }
0x1b: {  	s9 =	sadd.s32 $0xFFFFFEF7, lr;
	s5 =	simm.s32 $0xFFFFFFFF;
	p2 =	slt.u32 s8, $0xFFFFF086  }
0x1c: {  	p1 =	slt.u32 s9, $0xF7A;
	s5 =	simm.s32 @!p2 $0x0  }
0x1d: {  	s5 =	simm.s32 @p1 $0x1;
	p0 =	seq.s32 s7, s2  }
0x1e: {  	s7 =	smul.u32 @!p0 $0xF7A, s2;
	p2 =	seq.s32 @!p0 s5, $0x0  }
0x1f: {  	s9 =	smul.u32 $0xF7A, s1;
	s8 =	simm.s32 @!p0 $0x1BF5;
	p2 =	por !p2, p0  }
0x20: {  	[sflag:s8] =	ssyncset.s32 @!p0 $0xFFFFF086;
	s6 =	sadd.s32 @!p0 s3, s7;
	s7 =	simm.s32 @!p0 $0x108  }
0x21: {  	s3 =	sadd.s32 s3, s9;
	s6 =	sadd.s32 @!p0 $0x88, s6;
	s7 =	simm.s32 @p2 $0x1082  }
0x22: {  	[simem:s7], [sflag:s8] =	dma.local @!p0 [hbm:s6], $0xF7A  }
0x23: {  	s9 =	sor.u32 $0xD0000000, s2;
	s6 =	simm.s32 $0x108;
	_ =	swait.ge @!p0 [sflag:s8], $0x0  }
0x24: {  	s3 =	sadd.s32 $0x88, s3;
	s6 =	simm.s32 @!p1 $0x1082;
	[sflag:s4] =	ssyncset.s32 $0xFFFFF086  }
0x25: {  	[simem:s6], [sflag:s4] =	dma.local [hbm:s3], $0xF7A  }
0x26: {  	[smem:$0x3F95] =	sst s1;
	(tag) =	ssettag s2;
	_ =	strace s9  }
0x27: {  	s1 =	sld [smem:$0x3FA5]  }
0x28: {  	s2 =	sld [smem:$0x3FA6]  }
0x29: {  	s4 =	sld [smem:$0x3FA8]  }
0x2a: {  	p0 =	seq.s32 s5, $0x0;
	s5 =	sld [smem:$0x3FA9]  }
0x2b: {  	s6 =	sld [smem:$0x3FAA]  }
0x2c: {  	s7 =	sld [smem:$0x3FAB]  }
0x2d: {  	s3 =	simm.s32 $0x108;
	s8 =	sld [smem:$0x3FAC]  }
0x2e: {  	s3 =	simm.s32 @!p0 $0x1082;
	s9 =	sld [smem:$0x3FAD]  }
0x2f: {  	lr =	sadd.s32 s0, s3;
	s0 =	sld [smem:$0x3FA4]  }
0x30: {  	s3 =	sld [smem:$0x3FA7]  }
0x31: {  	[smem:$0x3FB0] =	sst s10  }
0x32: {  	s10 =	sld [smem:$0x3FAE];
	_ =	sdelay $0x3  }
0x33: {  	p0 =	seq.s32 s10, $0x1;
	s10 =	sld [smem:$0x3FB0];
	_ =	sdelay $0x3  }
0x34: {  	[smem:$0x3FB0] =	sst s10  }
0x35: {  	s10 =	sld [smem:$0x3FAF];
	_ =	sdelay $0x3  }
0x36: {  	p1 =	seq.s32 s10, $0x1;
	s10 =	sld [smem:$0x3FB0];
	_ =	sdelay $0x3  }
0x37: {  	[smem:$0x3FB0] =	sst s10  }
0x38: {  	s10 =	sld [smem:$0x3FB1]  }
0x39: {  	_ = 	snop;
	(pc) =	sbr.ind lr, $3  }
0x3a: {  	_ = 	snop  }
0x3b: {  	_ = 	snop  }
0x3c: {  	p2 =	seq.s32 s10, $0x1;
	s10 =	sld [smem:$0x3FB0]  }
0x3d: {  	_ =	shalt  }
0x3e: {  	_ =	shalt  }
0x3f: {  	_ =	shalt  }
0x40: {  	_ =	shalt  }
0x41: {  	_ =	shalt  }
0x42: {  	_ =	shalt  }
0x43: {  	_ =	shalt  }
0x44: {  	_ =	shalt  }
0x45: {  	_ =	shalt  }
0x46: {  	_ =	shalt  }
0x47: {  	_ =	shalt  }
0x48: {  	_ =	shalt  }
0x49: {  	_ =	shalt  }
0x4a: {  	_ =	shalt  }
0x4b: {  	_ =	shalt  }
0x4c: {  	_ =	shalt  }
0x4d: {  	_ =	shalt  }
0x4e: {  	_ =	shalt  }
0x4f: {  	_ =	shalt  }
0x50: {  	_ =	shalt  }
0x51: {  	_ =	shalt  }
0x52: {  	_ =	shalt  }
0x53: {  	_ =	shalt  }
0x54: {  	_ =	shalt  }
0x55: {  	_ =	shalt  }
0x56: {  	_ =	shalt  }
0x57: {  	_ =	shalt  }
0x58: {  	_ =	shalt  }
0x59: {  	_ =	shalt  }
0x5a: {  	_ =	shalt  }
0x5b: {  	_ =	shalt  }
0x5c: {  	_ =	shalt  }
0x5d: {  	_ =	shalt  }
0x5e: {  	_ =	shalt  }
0x5f: {  	_ =	shalt  }
0x60: {  	_ =	shalt  }
0x61: {  	_ =	shalt  }
0x62: {  	_ =	shalt  }
0x63: {  	_ =	shalt  }
0x64: {  	_ =	shalt  }
0x65: {  	_ =	shalt  }
0x66: {  	_ =	shalt  }
0x67: {  	_ =	shalt  }
0x68: {  	_ =	shalt  }
0x69: {  	_ =	shalt  }
0x6a: {  	_ =	shalt  }
0x6b: {  	_ =	shalt  }
0x6c: {  	_ =	shalt  }
0x6d: {  	_ =	shalt  }
0x6e: {  	_ =	shalt  }
0x6f: {  	_ =	shalt  }
0x70: {  	_ =	shalt  }
0x71: {  	_ =	shalt  }
0x72: {  	_ =	shalt  }
0x73: {  	_ =	shalt  }
0x74: {  	_ =	shalt  }
0x75: {  	_ =	shalt  }
0x76: {  	_ =	shalt  }
0x77: {  	_ =	shalt  }
0x78: {  	_ =	shalt  }
0x79: {  	_ =	shalt  }
0x7a: {  	_ =	shalt  }
0x7b: {  	_ =	shalt  }
0x7c: {  	_ =	shalt  }
0x7d: {  	_ =	shalt  }
0x7e: {  	_ =	shalt  }
0x7f: {  	_ =	shalt  }
0x80: {  	_ =	shalt  }
0x81: {  	_ =	shalt  }
0x82: {  	_ =	shalt  }
0x83: {  	_ =	shalt  }
0x84: {  	_ =	shalt  }
0x85: {  	_ =	shalt  }
0x86: {  	_ =	shalt  }
0x87: {  	_ =	shalt  }
.Lfunc_end0:
.L_simem_size_0:
called_computation.1_lowered:
.L_overlay_start_0:
0x88: {  	s2 =	sld [smem:$0x3FD9]  }
0x89: {  	s3 =	sld [smem:$0x3FFE];
	_ =	sdelay $0x1  }
0x8a: {  	s1 =	srdreg.scid  }
0x8b: {  	s0 =	sand.u32 $0x1, s1  }
0x8c: {  	s17 =	sshll.u32 s0, $0xA;
	s2 =	sadd.s32 s3, s2  }
0x8d: {  	s2 =	sadd.s32 s2, s17  }
0x8e: {  	[smem:$0x3FBC] =	sst s2  }
0x8f: {  	_ = 	snop  }
0x90: {  	s2 =	sld [smem:$0x3FD0];
	(tm) =	ssettm $0x1  }
0x91: {  	s18 =	sld [smem:$0x3FFB];
	_ =	sdelay $0x3  }
0x92: {  	_ =	strace s18  }
0x93: {  	s3 =	sld [smem:$0x3FFC];
	_ =	sdelay $0x3  }
0x94: {  	_ =	strace s3  }
0x95: {  	s3 =	sld [smem:$0x3FFD];
	_ =	sdelay $0x3  }
0x96: {  	_ =	strace s3  }
0x97: {  	_ =	strace $0x8FFFFFFF  }
0x98: {  	s19 =	sld [smem:$0x3FDB];
	_ =	sdelay $0x1  }
0x99: {  	s4 =	simm.s32 $_scs_section_size  }
0x9a: {  	s5 =	simm.s32 $_size__tile_overlayer_lowered;
	s6 =	simm.s32 $_tile_overlayer_lowered  }
0x9b: {  	s22 =	simm.s32 $0x1BFF;
	s21 =	sshll.u32 s6, $0x1;
	s3 =	sadd.s32 s4, s19  }
0x9c: {  	s7 =	simm.s32 $0x0;
	s20 =	sshll.u32 s5, $0x1;
	s5 =	sadd.s32 s21, s3  }
0x9d: {  	[timem:s7], [sflag:s22] =	dma.local [hbm:s5], s20  }
0x9e: {  	_ =	swait.ge [sflag:s22], s20  }
0x9f: {  	s4 =	ssub.s32 $0x0, s20;
	[sflag:s22] =	ssyncset.done $0x0  }
0xa0: {  	[sflag:s22] =	ssyncadd.s32 s4;
	_ =	sdelay $0x1  }
0xa1: {  	s23 =	simm.s32 $0x1B8B  }
0xa2: {  	_ =	swait.ge [sflag:s23], $0x1  }
0xa3: {  	[sflag:s23] =	ssyncset.done $0x0  }
0xa4: {  	s25 =	simm.s32 $0x1B8E;
	s24 =	sld [smem:$0x3FFE];
	[sflag:s23] =	ssyncadd.s32 $0xFFFFFFFF  }
0xa5: {  	s26 =	simm.s32 $execute0_lowered;
	[smem:$0x3FD2] =	sst s25  }
0xa6: {  	s5 =	sshll.u32 s26, $0x1;
	_ =	strace $0x80000049;
	[dreg:$0x1] =	wrdreg $0xFFFFFFFF  }
0xa7: {  	s28 =	simm.s32 $_size_execute0_lowered;
	s3 =	sadd.s32 s3, s5;
	[dreg:$0x0] =	wrdreg $0x0  }
0xa8: {  	s5 =	sshll.u32 s28, $0x1;
	[dreg:$0x2] =	wrdreg s3  }
0xa9: {  	[dreg:$0x3] =	wrdreg s5  }
0xaa: {  	[dreg:$0x4] =	wrdreg $0xC0  }
0xab: {  	_ =	task [dreg:s7], $0x5FFFF  }
0xac: {  	[dreg:$0x1] =	wrdreg $0xFFFFFFFF  }
0xad: {  	[dreg:$0x0] =	wrdreg $0x60  }
0xae: {  	[dreg:$0x2] =	wrdreg s24  }
0xaf: {  	[dreg:$0x3] =	wrdreg s2  }
0xb0: {  	[dreg:$0x4] =	wrdreg $0x130000  }
0xb1: {  	[dreg:$0x5] =	wrdreg $0x9  }
0xb2: {  	_ =	task.clear_ibuf [dreg:s7], $0x6FFFF;
	_ =	strace $0x90000049  }
0xb3: {  	s29 =	simm.s32 $0x9;
	_ =	strace $0x8000004B  }
0xb4: {  	_ =	swait.ge [sflag:s29], $0x1  }
0xb5: {  	[sflag:s29] =	ssyncadd.s32 $0xFFFFFFFF  }
0xb6: {  	_ =	strace $0x9000004B  }
0xb7: {  	_ =	sfence  }
0xb8: {  	s30 =	sld [smem:$0x0];
	_ =	sdelay $0x2  }
0xb9: {  	s31 =	sshll.u32 s1, $0xD;
	s1 =	sshrl.u32 s1, $0x2  }
0xba: {  	s3 =	sand.u32 $0x4000, s31;
	s1 =	sadd.s32 s1, s30  }
0xbb: {  	s0 =	sor.u32 s3, s0;
	s1 =	sshll.u32 s1, $0x11  }
0xbc: {  	s0 =	sor.u32 s1, s0  }
0xbd: {  	s0 =	sadd.s32 $0x8F2B, s0  }
0xbe: {  	[sflag:s0] =	ssyncadd.remote.s32 $0x1  }
0xbf: {  	_ =	sfence.sel $0xFFFF  }
0xc0: {  	[dreg:$0x0] =	wrdreg $0xFFFFFFFF;
	(pc) =	sbr.abs _section_cstart, $3  }
0xc1: {  	[dreg:$0x1] =	wrdreg $0xFFFFFFFF  }
0xc2: {  	_ =	task.clear_ibuf [dreg:s7], $0x2FFFF;
	_ =	strace $0x9FFFFFFF  }
0xc3: {  	(tm) =	ssettm $0x7FFFFFFF  }
tec
execute0_lowered:
.L_overlay_start_1:
0x0: {  	(tag) =	ssettag $0x1  }
0x1: {  	s1 =	rddreg [dreg:$0x0]  }
0x2: {  	s0 =	srdreg.scid;
	s2 =	rddreg [dreg:$0x1]  }
0x3: {  	s23 =	stileid.u32;
	s3 =	rddreg [dreg:$0x2];
	s4 =	simm.s32 $0x0  }
0x4: {  	s13 =	simm.s32 $0x5000;
	s14 =	simm.s32 $0x80;
	s15 =	simm.s32 $0xA000  }
0x5: {  	s16 =	simm.s32 $0xC400;
	s17 =	simm.s32 $0x100;
	s18 =	simm.s32 $0xE800  }
0x6: {  	s19 =	simm.s32 $0x180;
	s20 =	simm.s32 $0x10C00;
	s21 =	simm.s32 $0x1  }
0x7: {  	s22 =	simm.s32 $0x2;
	s28 =	simm.s32 $0x9F00;
	s7 =	smul.u32 $0xAFC8, s23  }
0x8: {  	s29 =	simm.s32 $0x9F80;
	s5 =	sand.u32 $0x1, s0;
	s9 =	smul.u32 $0xA00, s23  }
0x9: {  	s30 =	simm.s32 $0x0;
	[smem:$0x7FF] =	sst s4;
	s6 =	smul.u32 $0x15F99, s5  }
0xa: {  	s31 =	sshll.u32 s23, $0x6;
	s23 =	simm.s32 $0x3;
	s8 =	smul.u32 $0xAFC80, s5  }
0xb: {  	_ =	strace $0x8000004A;
	s5 =	ssub.s32 $0x2, s5;
	s25 =	sadd.s32 s9, s1  }
0xc: {  	s26 =	sshrl.u32 s5, $0x1;
	s12 =	sadd.s32 s7, s3;
	s10 =	sadd.s32 s6, s1  }
0xd: {  	s24 =	sadd.s32 s7, s8;
	s11 =	ssub.s32 s5, s26;
	s5 =	sor.u32 $0x1C05, s31  }
0xe: {  	s7 =	sadd.s32 $0x38800, s25;
	s26 =	simm.s32 $0x9E80;
	s6 =	sshrl.u32 s24, $0x3  }
0xf: {  	s8 =	sadd.s32 $0x42800, s10;
	s10 =	smax.u32 s11, $0x1;
	s11 =	sshrl.u32 s12, $0x3  }
0x10: {  	s12 =	simm.s32 $0x5;
	s24 =	simm.s32 $0x4;
	s1 =	sadd.s32 s6, s1  }
0x11: {  	s6 =	sadd.s32 $0x2E800, s25;
	s25 =	simm.s32 $0x9E00;
	s9 =	sadd.s32 $0x6E800, s1  }
.LBB2_1:
0x12: {  	[spmem:s11], [sflag:s5] =	dma.local [hbm:s2], $0x15F9  }
0x13: {  	_ =	swait.ge [sflag:s12], $0x15F9  }
0x14: {  	[sflag:s12] =	ssyncset.done $0x0  }
0x15: {  	[sflag:s12] =	ssyncadd.s32 $0xFFFFEA07  }
0x16: {  	[bflag:$0x0] =	sbarrier.arrive $0xFFFF  }
0x17: {  	[tilespmem:s4], [sflag:$0x5] =	stream.linear.gather [hbm4b:s6+s4], $0x5000, $0x38;
	[tilespmem:$0x1DFC8] =	vst v63  }
0x18: {  	_ =	swait.ge [sflag:s12], $0x5000  }
0x19: {  	[sflag:s12] =	ssyncset.done $0x0  }
0x1a: {  	[sflag:s12] =	ssyncadd.s32 $0xFFFFB000  }
0x1b: {  	[tilespmem:s13], [sflag:$0x5] =	stream.linear.gather [hbm4b:s7+s4], $0x5000, $0x38;
	[tilespmem:$0x1DFC8] =	vst v63  }
0x1c: {  	_ =	swait.ge [sflag:s12], $0x5000  }
0x1d: {  	[sflag:s12] =	ssyncset.done $0x0  }
0x1e: {  	[sflag:s12] =	ssyncadd.s32 $0xFFFFB000  }
0x1f: {  	[tilespmem:s15], [sflag:$0x1] =	stream.indirect.gather [hbm4b:s8+s14], $0x48, s4, s14, $0xb8;
	[tilespmem:$0x1DFC8] =	vst v63  }
0x20: {  	_ = 	snop  }
0x21: {  	[tilespmem:s16], [sflag:$0x2] =	stream.indirect.gather [hbm4b:s8+s14], $0x48, s14, s14, $0xb8;
	[tilespmem:$0x1DFC8] =	vst v63  }
0x22: {  	_ = 	snop  }
0x23: {  	[tilespmem:s18], [sflag:$0x3] =	stream.indirect.gather [hbm4b:s8+s14], $0x48, s17, s14, $0xb8;
	[tilespmem:$0x1DFC8] =	vst v63  }
0x24: {  	_ = 	snop  }
0x25: {  	[tilespmem:s20], [sflag:$0x4] =	stream.indirect.gather [hbm4b:s8+s14], $0x48, s19, s14, $0xb8;
	[tilespmem:$0x1DFC8] =	vst v63  }
0x26: {  	_ =	swait.ge [sflag:s21], $0x2400  }
0x27: {  	[sflag:s21] =	ssyncset.done $0x0  }
0x28: {  	s1 =	simm.s32 $0x5000;
	[sflag:s21] =	ssyncadd.s32 $0xFFFFDC00  }
0x29: {  	[spmem:s3] =	stream.indirect.scatter.add.f32 [tilespmem:s15], [sflag:$0x5], $0x48, s1, s14, $0xb8;
	[tilespmem:$0x1DFC8] =	vst v63  }
0x2a: {  	_ =	swait.ge [sflag:s12], $0x2400  }
0x2b: {  	[sflag:s12] =	ssyncset.done $0x0  }
0x2c: {  	s0 =	simm.s32 $0x200;
	[sflag:s12] =	ssyncadd.s32 $0xFFFFDC00  }
0x2d: {  	[tilespmem:s15], [sflag:$0x1] =	stream.indirect.gather [hbm4b:s8+s14], $0x48, s0, s14, $0xb8;
	[tilespmem:$0x1DFC8] =	vst v63  }
0x2e: {  	_ =	swait.ge [sflag:s22], $0x2400  }
0x2f: {  	[sflag:s22] =	ssyncset.done $0x0  }
0x30: {  	s0 =	simm.s32 $0x5080;
	[sflag:s22] =	ssyncadd.s32 $0xFFFFDC00  }
0x31: {  	[spmem:s3] =	stream.indirect.scatter.add.f32 [tilespmem:s16], [sflag:$0x5], $0x48, s0, s14, $0xb8;
	[tilespmem:$0x1DFC8] =	vst v63  }
0x32: {  	_ =	swait.ge [sflag:s12], $0x2400  }
0x33: {  	[sflag:s12] =	ssyncset.done $0x0  }
0x34: {  	s0 =	simm.s32 $0x280;
	[sflag:s12] =	ssyncadd.s32 $0xFFFFDC00  }
0x35: {  	[tilespmem:s16], [sflag:$0x2] =	stream.indirect.gather [hbm4b:s8+s14], $0x48, s0, s14, $0xb8;
	[tilespmem:$0x1DFC8] =	vst v63  }
0x36: {  	_ =	swait.ge [sflag:s23], $0x2400  }
0x37: {  	[sflag:s23] =	ssyncset.done $0x0  }
0x38: {  	s0 =	simm.s32 $0x5100;
	[sflag:s23] =	ssyncadd.s32 $0xFFFFDC00  }
0x39: {  	[spmem:s3] =	stream.indirect.scatter.add.f32 [tilespmem:s18], [sflag:$0x5], $0x48, s0, s14, $0xb8;
	[tilespmem:$0x1DFC8] =	vst v63  }
0x3a: {  	_ =	swait.ge [sflag:s12], $0x2400  }
0x3b: {  	[sflag:s12] =	ssyncset.done $0x0  }
0x3c: {  	s0 =	simm.s32 $0x300;
	[sflag:s12] =	ssyncadd.s32 $0xFFFFDC00  }
0x3d: {  	[tilespmem:s18], [sflag:$0x3] =	stream.indirect.gather [hbm4b:s8+s14], $0x48, s0, s14, $0xb8;
	[tilespmem:$0x1DFC8] =	vst v63  }
0x3e: {  	_ =	swait.ge [sflag:s24], $0x2400  }
0x3f: {  	[sflag:s24] =	ssyncset.done $0x0  }
0x40: {  	s0 =	simm.s32 $0x5180;
	[sflag:s24] =	ssyncadd.s32 $0xFFFFDC00  }
0x41: {  	[spmem:s3] =	stream.indirect.scatter.add.f32 [tilespmem:s20], [sflag:$0x5], $0x48, s0, s14, $0xb8;
	[tilespmem:$0x1DFC8] =	vst v63  }
0x42: {  	_ =	swait.ge [sflag:s12], $0x2400  }
0x43: {  	[sflag:s12] =	ssyncset.done $0x0  }
0x44: {  	s31 =	simm.s32 $0x800;
	s1 =	simm.s32 $0x380;
	[sflag:s12] =	ssyncadd.s32 $0xFFFFDC00  }
.LBB2_2:
0x45: {  	[tilespmem:s20], [sflag:$0x4] =	stream.indirect.gather [hbm4b:s8+s14], $0x48, s1, s14, $0xb8;
	[tilespmem:$0x1DFC8] =	vst v63  }
0x46: {  	s1 =	smov.u32 s31  }
0x47: {  	p0 =	sne.s32 s31, $0x13000;
	s31 =	sadd.s32 $0x800, s31;
	_ =	swait.ge [sflag:s21], $0x2400  }
0x48: {  	s1 =	sshra.s32 s1, $0x2;
	[sflag:s21] =	ssyncset.done $0x0  }
0x49: {  	s0 =	sadd.s32 $0x5000, s1;
	[sflag:s21] =	ssyncadd.s32 $0xFFFFDC00  }
0x4a: {  	[spmem:s3] =	stream.indirect.scatter.add.f32 [tilespmem:s15], [sflag:$0x5], $0x48, s0, s14, $0xb8;
	[tilespmem:$0x1DFC8] =	vst v63  }
0x4b: {  	_ =	swait.ge [sflag:s12], $0x2400  }
0x4c: {  	[sflag:s12] =	ssyncset.done $0x0  }
0x4d: {  	s0 =	sadd.s32 $0x200, s1;
	[sflag:s12] =	ssyncadd.s32 $0xFFFFDC00  }
0x4e: {  	[tilespmem:s15], [sflag:$0x1] =	stream.indirect.gather [hbm4b:s8+s14], $0x48, s0, s14, $0xb8;
	[tilespmem:$0x1DFC8] =	vst v63  }
0x4f: {  	_ =	swait.ge [sflag:s22], $0x2400  }
0x50: {  	[sflag:s22] =	ssyncset.done $0x0  }
0x51: {  	s0 =	sadd.s32 $0x5080, s1;
	[sflag:s22] =	ssyncadd.s32 $0xFFFFDC00  }
0x52: {  	[spmem:s3] =	stream.indirect.scatter.add.f32 [tilespmem:s16], [sflag:$0x5], $0x48, s0, s14, $0xb8;
	[tilespmem:$0x1DFC8] =	vst v63  }
0x53: {  	_ =	swait.ge [sflag:s12], $0x2400  }
0x54: {  	[sflag:s12] =	ssyncset.done $0x0  }
0x55: {  	s0 =	sadd.s32 $0x280, s1;
	[sflag:s12] =	ssyncadd.s32 $0xFFFFDC00  }
0x56: {  	[tilespmem:s16], [sflag:$0x2] =	stream.indirect.gather [hbm4b:s8+s14], $0x48, s0, s14, $0xb8;
	[tilespmem:$0x1DFC8] =	vst v63  }
0x57: {  	_ =	swait.ge [sflag:s23], $0x2400  }
0x58: {  	[sflag:s23] =	ssyncset.done $0x0  }
0x59: {  	s0 =	sadd.s32 $0x5100, s1;
	[sflag:s23] =	ssyncadd.s32 $0xFFFFDC00  }
0x5a: {  	[spmem:s3] =	stream.indirect.scatter.add.f32 [tilespmem:s18], [sflag:$0x5], $0x48, s0, s14, $0xb8;
	[tilespmem:$0x1DFC8] =	vst v63  }
0x5b: {  	_ =	swait.ge [sflag:s12], $0x2400  }
0x5c: {  	[sflag:s12] =	ssyncset.done $0x0  }
0x5d: {  	s0 =	sadd.s32 $0x300, s1;
	[sflag:s12] =	ssyncadd.s32 $0xFFFFDC00  }
0x5e: {  	[tilespmem:s18], [sflag:$0x3] =	stream.indirect.gather [hbm4b:s8+s14], $0x48, s0, s14, $0xb8;
	[tilespmem:$0x1DFC8] =	vst v63  }
0x5f: {  	_ =	swait.ge [sflag:s24], $0x2400  }
0x60: {  	[sflag:s24] =	ssyncset.done $0x0  }
.Ltmp0:
0x61: {  	s0 =	sadd.s32 $0x5180, s1;
	[sflag:s24] =	ssyncadd.s32 $0xFFFFDC00;
	(pc) =	sbr.rel @p0 .LBB2_2-.Ltmp0, $4  }
0x62: {  	[spmem:s3] =	stream.indirect.scatter.add.f32 [tilespmem:s20], [sflag:$0x5], $0x48, s0, s14, $0xb8;
	[tilespmem:$0x1DFC8] =	vst v63  }
0x63: {  	_ =	swait.ge [sflag:s12], $0x2400  }
0x64: {  	[sflag:s12] =	ssyncset.done $0x0  }
0x65: {  	s1 =	sadd.s32 $0x380, s1;
	[sflag:s12] =	ssyncadd.s32 $0xFFFFDC00  }
0x66: {  	[tilespmem:s20], [sflag:$0x4] =	stream.indirect.gather [hbm4b:s8+s14], $0x48, s1, s14, $0xb8;
	[tilespmem:$0x1DFC8] =	vst v63  }
0x67: {  	_ =	swait.ge [sflag:s21], $0x2400  }
0x68: {  	[sflag:s21] =	ssyncset.done $0x0  }
0x69: {  	[sflag:s21] =	ssyncadd.s32 $0xFFFFDC00  }
0x6a: {  	[spmem:s3] =	stream.indirect.scatter.add.f32 [tilespmem:s15], [sflag:$0x5], $0x48, s25, s14, $0xb8;
	[tilespmem:$0x1DFC8] =	vst v63  }
0x6b: {  	_ =	swait.ge [sflag:s12], $0x2400  }
0x6c: {  	[sflag:s12] =	ssyncset.done $0x0  }
0x6d: {  	[sflag:s12] =	ssyncadd.s32 $0xFFFFDC00  }
0x6e: {  	_ =	swait.ge [sflag:s22], $0x2400  }
0x6f: {  	[sflag:s22] =	ssyncset.done $0x0  }
0x70: {  	[sflag:s22] =	ssyncadd.s32 $0xFFFFDC00  }
0x71: {  	[spmem:s3] =	stream.indirect.scatter.add.f32 [tilespmem:s16], [sflag:$0x5], $0x48, s26, s14, $0xb8;
	[tilespmem:$0x1DFC8] =	vst v63  }
0x72: {  	_ =	swait.ge [sflag:s12], $0x2400  }
0x73: {  	[sflag:s12] =	ssyncset.done $0x0  }
0x74: {  	[sflag:s12] =	ssyncadd.s32 $0xFFFFDC00  }
0x75: {  	_ =	swait.ge [sflag:s23], $0x2400  }
0x76: {  	[sflag:s23] =	ssyncset.done $0x0  }
0x77: {  	[sflag:s23] =	ssyncadd.s32 $0xFFFFDC00  }
0x78: {  	[spmem:s3] =	stream.indirect.scatter.add.f32 [tilespmem:s18], [sflag:$0x5], $0x48, s28, s14, $0xb8;
	[tilespmem:$0x1DFC8] =	vst v63  }
0x79: {  	_ =	swait.ge [sflag:s12], $0x2400  }
0x7a: {  	[sflag:s12] =	ssyncset.done $0x0  }
0x7b: {  	[sflag:s12] =	ssyncadd.s32 $0xFFFFDC00  }
0x7c: {  	_ =	swait.ge [sflag:s24], $0x2400  }
0x7d: {  	[sflag:s24] =	ssyncset.done $0x0  }
0x7e: {  	[sflag:s24] =	ssyncadd.s32 $0xFFFFDC00  }
0x7f: {  	[spmem:s3] =	stream.indirect.scatter.add.f32 [tilespmem:s20], [sflag:$0x5], $0x48, s29, s14, $0xb8;
	[tilespmem:$0x1DFC8] =	vst v63  }
0x80: {  	_ =	swait.ge [sflag:s12], $0x2400  }
0x81: {  	s30 =	sadd.s32 $0x1, s30;
	[sflag:s12] =	ssyncset.done $0x0  }
0x82: {  	p0 =	sne.s32 s30, s10;
	[sflag:s12] =	ssyncadd.s32 $0xFFFFDC00  }
.Ltmp1:
0x83: {  	[bflag:$0x0] =	sbarrier.arrive $0xFFFF;
	(pc) =	sbr.rel @p0 .LBB2_1-.Ltmp1, $4  }
0x84: {  	[hbm:s9], [sflag:s5] =	dma.local [spmem:s11], $0x15F9  }
0x85: {  	_ =	swait.ge [sflag:s12], $0x15F9  }
0x86: {  	[sflag:s12] =	ssyncset.done $0x0  }
0x87: {  	[sflag:s12] =	ssyncadd.s32 $0xFFFFEA07  }
0x88: {  	_ =	sfence.sel $0x180000  }
0x89: {  	[bflag:$0x0] =	sbarrier.arrive $0xFFFF  }
0x8a: {  	_ =	strace $0x9000004A  }
0x8b: {  	s0 =	stileid.u32;
	[bflag:$0x2] =	sbarrier.arrive $0xFFFF  }
0x8c: {  	p0 =	sne.s32 s0, $0x0;
	s0 =	rddreg [dreg:$0x3]  }
0x8d: {  	s0 =	sadd.s32 @!p0 $0x100000, s0  }
0x8e: {  	[sflag:s0] =	ssyncadd.tile.s32 @!p0 $0x1;
	_ =	shalt  }
.Lfunc_end2:
_tile_overlayer_lowered:
.L_overlay_start_2:
0x8f: {  	(tag) =	ssettag $0x2  }
0x90: {  	s0 =	rddreg [dreg:$0x0];
	s2 =	stileid.u32  }
0x91: {  	s1 =	rddreg [dreg:$0x1];
	p0 =	sne.s32 s2, $0x0  }
0x92: {  	s3 =	rddreg [dreg:$0x2];
	[bflag:$0x3] =	sbarrier.arrive $0xFFFF;
	s2 =	simm.s32 @!p0 $0x1C05  }
0x93: {  	[timem:s3], [sflag:s2] =	dma.local @!p0 [hbm:s0], s1  }
0x94: {  	s0 =	simm.s32 @!p0 $0x5  }
0x95: {  	_ =	swait.ge @!p0 [sflag:s0], s1  }
0x96: {  	s1 =	ssub.s32 @!p0 $0x0, s1;
	[sflag:s0] =	ssyncset.done @!p0 $0x0  }
0x97: {  	[sflag:s0] =	ssyncadd.s32 @!p0 s1  }
0x98: {  	[bflag:$0x3] =	sbarrier.arrive $0xFFFF  }
0x99: {  	_ =	shalt  }

</sc_bundles>
